<compile_context>
chip_gen: v7x
topology: tpu7x:2x2x1
jax: 0.10.2.dev20260603
libtpu: 0.0.44.dev20260713+nightly
codegen_flags: <defaults>
</compile_context>

<pallas_src>
import functools

import jax
import jax.numpy as jnp
from jax import lax
from jax.experimental import pallas as pl
from jax.experimental.pallas import tpu as pltpu
from jax.experimental.pallas import tpu_sc as plsc

_NUM_CORES = 2
_NUM_SUBCORES = 16
_NW = _NUM_CORES * _NUM_SUBCORES


def _chunk_starts(lo, hi):
  starts = []
  b = lo // 128
  while b * 128 < hi:
    s0, s1 = max(lo, b * 128), min(hi, (b + 1) * 128)
    seg = list(range(s0, s1 - 16, 16))
    seg.append(s1 - 16)
    starts += seg
    b += 1
  return starts


def _sc_build_pos(dims, z_lo, nz, row_w, col_w, hei_w):
  B, Z, C, X, Y = dims
  CH = col_w.shape[1]
  CH2 = 2 * CH
  CHZ = C - CH2

  mesh = plsc.VectorSubcoreMesh(
      core_axis_name="c", subcore_axis_name="s",
      num_cores=_NUM_CORES, num_subcores=_NUM_SUBCORES)

  @functools.partial(
      pl.kernel,
      out_type=jax.ShapeDtypeStruct((nz, X, Y, C), jnp.float32),
      mesh=mesh,
      scratch_types=[
          pltpu.VMEM((row_w.size,), jnp.float32),
          pltpu.VMEM((col_w.size,), jnp.float32),
          pltpu.VMEM((hei_w.size,), jnp.float32),
          pltpu.VMEM((nz * Y, C), jnp.float32),
          pltpu.SemaphoreType.DMA,
      ],
      compiler_params=pltpu.CompilerParams(needs_layout_passes=False),
  )
  def kern(row_hbm, col_hbm, hei_hbm, pos_hbm, roww_v, colw_v, heiw_v,
           slabs_v, sem):
    cid = lax.axis_index("c")
    sid = lax.axis_index("s")
    wid = sid * _NUM_CORES + cid

    pltpu.async_copy(row_hbm, roww_v, sem)
    pltpu.async_copy(col_hbm, colw_v, sem)
    pltpu.async_copy(hei_hbm, heiw_v, sem)
    pltpu.make_async_copy(row_hbm, roww_v, sem).wait()
    pltpu.make_async_copy(col_hbm, colw_v, sem).wait()
    pltpu.make_async_copy(hei_hbm, heiw_v, sem).wait()

    col_s = _chunk_starts(0, CH)
    row_s = _chunk_starts(CH, CH2)
    hei_s = _chunk_starts(CH2, C)

    rw = [roww_v[pl.ds(wid * CH + (s - CH), 16)] for s in row_s]

    def per_z(z, _):
      hz = [heiw_v[pl.ds((z_lo + z) * CH + (s - CH2), 16)] for s in hei_s]

      def per_y(y, _):
        r = z * Y + y
        for s in col_s:
          slabs_v[r, pl.ds(s, 16)] = colw_v[pl.ds(y * CH + s, 16)]
        for v, s in zip(rw, row_s):
          slabs_v[r, pl.ds(s, 16)] = v
        for v, s in zip(hz, hei_s):
          slabs_v[r, pl.ds(s, 16)] = v
        return 0

      lax.fori_loop(0, Y, per_y, 0, unroll=4)
      return 0

    lax.fori_loop(0, nz, per_z, 0)

    def issue(z, _):
      pltpu.async_copy(
          slabs_v.at[pl.ds(z * Y, Y)], pos_hbm.at[z, wid], sem)
      return 0

    lax.fori_loop(0, nz, issue, 0)

    def drain(z, _):
      pltpu.make_async_copy(
          slabs_v.at[pl.ds(0, Y)], pos_hbm.at[0, wid], sem).wait()
      return 0

    lax.fori_loop(0, nz, drain, 0)

  return kern(row_w.reshape(-1), col_w.reshape(-1), hei_w.reshape(-1))


def _tc_broadcast(dims, z_lo, nz, pos, prev=None):
  B, Z, C, X, Y = dims

  def body(*refs):
    pos_hbm, out_hbm, pos_v, sem_in, sem_out = refs[:1] + refs[-4:]
    cp = pltpu.make_async_copy(pos_hbm, pos_v, sem_in)
    cp.start()
    cp.wait()

    def issue(b, _):
      pltpu.make_async_copy(
          pos_v, out_hbm.at[b, pl.ds(z_lo, nz)], sem_out).start()
      return 0

    lax.fori_loop(0, B, issue, 0, unroll=4)

    def drain(b, _):
      pltpu.make_async_copy(
          pos_v, out_hbm.at[0, pl.ds(z_lo, nz)], sem_out).wait()
      return 0

    lax.fori_loop(0, B, drain, 0)

  args = (pos,) if prev is None else (pos, prev)
  return pl.pallas_call(
      body,
      out_shape=jax.ShapeDtypeStruct((B, Z, X, Y, C), jnp.float32),
      in_specs=[pl.BlockSpec(memory_space=pl.ANY)] * len(args),
      out_specs=pl.BlockSpec(memory_space=pl.ANY),
      input_output_aliases={} if prev is None else {1: 0},
      scratch_shapes=[
          pltpu.VMEM((nz, X, Y, C), jnp.float32),
          pltpu.SemaphoreType.DMA,
          pltpu.SemaphoreType.DMA,
      ],
  )(*args)


@functools.partial(jax.jit, static_argnums=(0,))
def _pos_embed(dims, row_w, col_w, hei_w):
  B, Z, C, X, Y = dims
  pos = _sc_build_pos(dims, 0, Z, row_w, col_w, hei_w)
  out = _tc_broadcast(dims, 0, Z, pos)
  return jnp.transpose(out, (0, 1, 4, 2, 3))


def kernel(tensor, row_w, col_w, hei_w):
  B, Z, C, X, Y = tensor.shape
  assert X == _NW and Y == X and C > 2 * row_w.shape[1]
  return _pos_embed((B, Z, C, X, Y), row_w, col_w, hei_w)

# --- scband reference (transcript-rebuilt; emitter-appended) ---
"""Pipeline reference for scband-position-embedding-learned-1795296329916 (READ-ONLY COPY).

The authoritative reference and input builder live on the scoring server;
editing this copy changes nothing except your own understanding.
"""

import jax, jax.numpy as jnp
import numpy as np

NUM_POS_FEATS = 256
W = 32
H = 32
N_CTX = 9
CHANNELS = int(np.ceil(NUM_POS_FEATS / 3))
if CHANNELS % 2:
    CHANNELS += 1  # -> 86


def setup_inputs(seed: int = 0) -> dict:
    key = jax.random.key(seed)
    k1, k2, k3, k4 = jax.random.split(key, 4)
    tensor = jax.random.normal(k1, (16, 9, 256, 32, 32), dtype=jnp.float32)
    row_w = jax.random.uniform(k2, (W, CHANNELS), dtype=jnp.float32)
    col_w = jax.random.uniform(k3, (H, CHANNELS), dtype=jnp.float32)
    hei_w = jax.random.uniform(k4, (N_CTX, CHANNELS), dtype=jnp.float32)
    return {"tensor": tensor, "row_w": row_w, "col_w": col_w, "hei_w": hei_w}


def reference(tensor, row_w, col_w, hei_w):
    B, z, orig_ch, x, y = tensor.shape
    i = jnp.arange(x)
    j = jnp.arange(y)
    hh = jnp.arange(z)
    x_emb = jnp.take(col_w, i, axis=0)   # [x, ch]
    y_emb = jnp.take(row_w, j, axis=0)   # [y, ch]
    z_emb = jnp.take(hei_w, hh, axis=0)  # [z, ch]
    a = jnp.tile(x_emb[None, None, :, :], (z, x, 1, 1))  # [z, x, x, ch]
    b = jnp.tile(y_emb[None, :, None, :], (z, 1, y, 1))  # [z, y, y, ch]
    c = jnp.tile(z_emb[:, None, None, :], (1, x, y, 1))  # [z, x, y, ch]
    pos = jnp.concatenate([a, b, c], axis=-1)[:, :, :, 0:orig_ch]
    pos = jnp.transpose(pos, (0, 3, 1, 2))            # [z, orig_ch, x, y]
    pos = jnp.tile(pos[None], (B, 1, 1, 1, 1))        # [B, z, orig_ch, x, y]
    return pos

if __name__ == "__main__":
    import jax
    _d = setup_inputs()
    print(jax.jit(kernel)(*tuple(_d.values())))

</pallas_src>

<mosaic_0001>
#map = affine_map<(d0, d1) -> (0)>
#map1 = affine_map<(d0, d1) -> (0, 0, 0, 0)>
module attributes {stable_mosaic.version = 14 : i64} {
  func.func @kern(%arg0: i32, %arg1: i32, %arg2: memref<2752xf32, #tpu.memory_space<hbm>>, %arg3: memref<2752xf32, #tpu.memory_space<hbm>>, %arg4: memref<774xf32, #tpu.memory_space<hbm>>, %arg5: memref<9x32x32x256xf32, #tpu.memory_space<hbm>>, %arg6: memref<2752xf32, #tpu.memory_space<vmem>>, %arg7: memref<2752xf32, #tpu.memory_space<vmem>>, %arg8: memref<774xf32, #tpu.memory_space<vmem>>, %arg9: memref<288x256xf32, #tpu.memory_space<vmem>>, %arg10: memref<!tpu.dma_semaphore, #tpu.memory_space<semaphore_mem>>) attributes {dimension_semantics = [#tpu.dimension_semantics<core_parallel>, #tpu.dimension_semantics<subcore_parallel>], iteration_bounds = array<i64: 2, 16>, scalar_prefetch = 0 : i64, scratch_operands = 5 : i64, tpu.core_type = #tpu.core_type<sc_vector_subcore>, window_params = [{transform_indices = #map}, {transform_indices = #map}, {transform_indices = #map}, {transform_indices = #map1}]} {
    %mul3A = arith.constant 2 : i32
    %mul3A_0 = arith.muli %arg1, %mul3A : i32
    %add3A = arith.addi %mul3A_0, %arg0 : i32
    tpu.enqueue_dma source(%arg2 : memref<2752xf32, #tpu.memory_space<hbm>>) target(%arg6 : memref<2752xf32, #tpu.memory_space<vmem>>) target_semaphore(%arg10 : memref<!tpu.dma_semaphore, #tpu.memory_space<semaphore_mem>>)
    tpu.enqueue_dma source(%arg3 : memref<2752xf32, #tpu.memory_space<hbm>>) target(%arg7 : memref<2752xf32, #tpu.memory_space<vmem>>) target_semaphore(%arg10 : memref<!tpu.dma_semaphore, #tpu.memory_space<semaphore_mem>>)
    tpu.enqueue_dma source(%arg4 : memref<774xf32, #tpu.memory_space<hbm>>) target(%arg8 : memref<774xf32, #tpu.memory_space<vmem>>) target_semaphore(%arg10 : memref<!tpu.dma_semaphore, #tpu.memory_space<semaphore_mem>>)
    tpu.wait_dma2 semaphore(%arg10 : memref<!tpu.dma_semaphore, #tpu.memory_space<semaphore_mem>>) src(%arg2 : memref<2752xf32, #tpu.memory_space<hbm>>) dst(%arg6 : memref<2752xf32, #tpu.memory_space<vmem>>)
    tpu.wait_dma2 semaphore(%arg10 : memref<!tpu.dma_semaphore, #tpu.memory_space<semaphore_mem>>) src(%arg3 : memref<2752xf32, #tpu.memory_space<hbm>>) dst(%arg7 : memref<2752xf32, #tpu.memory_space<vmem>>)
    tpu.wait_dma2 semaphore(%arg10 : memref<!tpu.dma_semaphore, #tpu.memory_space<semaphore_mem>>) src(%arg4 : memref<774xf32, #tpu.memory_space<hbm>>) dst(%arg8 : memref<774xf32, #tpu.memory_space<vmem>>)
    %mul3A_1 = arith.constant 86 : i32
    %mul3A_2 = arith.muli %add3A, %mul3A_1 : i32
    %add3A_3 = arith.constant 0 : i32
    %add3A_4 = arith.addi %mul3A_2, %add3A_3 : i32
    %get3A = arith.index_cast %add3A_4 : i32 to index
    %get3A_5 = tpu.vector_load %arg6[%get3A] {strides = array<i32>} : memref<2752xf32, #tpu.memory_space<vmem>>, vector<16xf32>,
    %mul3A_6 = arith.constant 86 : i32
    %mul3A_7 = arith.muli %add3A, %mul3A_6 : i32
    %add3A_8 = arith.constant 16 : i32
    %add3A_9 = arith.addi %mul3A_7, %add3A_8 : i32
    %get3A_10 = arith.index_cast %add3A_9 : i32 to index
    %get3A_11 = tpu.vector_load %arg6[%get3A_10] {strides = array<i32>} : memref<2752xf32, #tpu.memory_space<vmem>>, vector<16xf32>,
    %mul3A_12 = arith.constant 86 : i32
    %mul3A_13 = arith.muli %add3A, %mul3A_12 : i32
    %add3A_14 = arith.constant 26 : i32
    %add3A_15 = arith.addi %mul3A_13, %add3A_14 : i32
    %get3A_16 = arith.index_cast %add3A_15 : i32 to index
    %get3A_17 = tpu.vector_load %arg6[%get3A_16] {strides = array<i32>} : memref<2752xf32, #tpu.memory_space<vmem>>, vector<16xf32>,
    %mul3A_18 = arith.constant 86 : i32
    %mul3A_19 = arith.muli %add3A, %mul3A_18 : i32
    %add3A_20 = arith.constant 42 : i32
    %add3A_21 = arith.addi %mul3A_19, %add3A_20 : i32
    %get3A_22 = arith.index_cast %add3A_21 : i32 to index
    %get3A_23 = tpu.vector_load %arg6[%get3A_22] {strides = array<i32>} : memref<2752xf32, #tpu.memory_space<vmem>>, vector<16xf32>,
    %mul3A_24 = arith.constant 86 : i32
    %mul3A_25 = arith.muli %add3A, %mul3A_24 : i32
    %add3A_26 = arith.constant 58 : i32
    %add3A_27 = arith.addi %mul3A_25, %add3A_26 : i32
    %get3A_28 = arith.index_cast %add3A_27 : i32 to index
    %get3A_29 = tpu.vector_load %arg6[%get3A_28] {strides = array<i32>} : memref<2752xf32, #tpu.memory_space<vmem>>, vector<16xf32>,
    %mul3A_30 = arith.constant 86 : i32
    %mul3A_31 = arith.muli %add3A, %mul3A_30 : i32
    %add3A_32 = arith.constant 70 : i32
    %add3A_33 = arith.addi %mul3A_31, %add3A_32 : i32
    %get3A_34 = arith.index_cast %add3A_33 : i32 to index
    %get3A_35 = tpu.vector_load %arg6[%get3A_34] {strides = array<i32>} : memref<2752xf32, #tpu.memory_space<vmem>>, vector<16xf32>,
    %scan3A = arith.constant 0 : i32
    %scan3A_36 = arith.constant 0 : i32
    %scan3A_37 = arith.constant 9 : i32
    %scan3A_38 = arith.addi %scan3A_36, %scan3A_37 : i32
    %scan3A_39 = arith.constant 1 : i32
    %scan3A_40 = scf.for %scan3A_56 = %scan3A_36 to %scan3A_38 step %scan3A_39 iter_args(%scan3A_57 = %scan3A) -> (i32)  : i32 {
      %add3A_58 = arith.constant 0 : i32
      %add3A_59 = arith.addi %add3A_58, %scan3A_56 : i32
      %mul3A_60 = arith.constant 86 : i32
      %mul3A_61 = arith.muli %add3A_59, %mul3A_60 : i32
      %add3A_62 = arith.constant 0 : i32
      %add3A_63 = arith.addi %mul3A_61, %add3A_62 : i32
      %get3A_64 = arith.index_cast %add3A_63 : i32 to index
      %get3A_65 = tpu.vector_load %arg8[%get3A_64] {strides = array<i32>} : memref<774xf32, #tpu.memory_space<vmem>>, vector<16xf32>,
      %add3A_66 = arith.constant 0 : i32
      %add3A_67 = arith.addi %add3A_66, %scan3A_56 : i32
      %mul3A_68 = arith.constant 86 : i32
      %mul3A_69 = arith.muli %add3A_67, %mul3A_68 : i32
      %add3A_70 = arith.constant 16 : i32
      %add3A_71 = arith.addi %mul3A_69, %add3A_70 : i32
      %get3A_72 = arith.index_cast %add3A_71 : i32 to index
      %get3A_73 = tpu.vector_load %arg8[%get3A_72] {strides = array<i32>} : memref<774xf32, #tpu.memory_space<vmem>>, vector<16xf32>,
      %add3A_74 = arith.constant 0 : i32
      %add3A_75 = arith.addi %add3A_74, %scan3A_56 : i32
      %mul3A_76 = arith.constant 86 : i32
      %mul3A_77 = arith.muli %add3A_75, %mul3A_76 : i32
      %add3A_78 = arith.constant 32 : i32
      %add3A_79 = arith.addi %mul3A_77, %add3A_78 : i32
      %get3A_80 = arith.index_cast %add3A_79 : i32 to index
      %get3A_81 = tpu.vector_load %arg8[%get3A_80] {strides = array<i32>} : memref<774xf32, #tpu.memory_space<vmem>>, vector<16xf32>,
      %add3A_82 = arith.constant 0 : i32
      %add3A_83 = arith.addi %add3A_82, %scan3A_56 : i32
      %mul3A_84 = arith.constant 86 : i32
      %mul3A_85 = arith.muli %add3A_83, %mul3A_84 : i32
      %add3A_86 = arith.constant 48 : i32
      %add3A_87 = arith.addi %mul3A_85, %add3A_86 : i32
      %get3A_88 = arith.index_cast %add3A_87 : i32 to index
      %get3A_89 = tpu.vector_load %arg8[%get3A_88] {strides = array<i32>} : memref<774xf32, #tpu.memory_space<vmem>>, vector<16xf32>,
      %add3A_90 = arith.constant 0 : i32
      %add3A_91 = arith.addi %add3A_90, %scan3A_56 : i32
      %mul3A_92 = arith.constant 86 : i32
      %mul3A_93 = arith.muli %add3A_91, %mul3A_92 : i32
      %add3A_94 = arith.constant 64 : i32
      %add3A_95 = arith.addi %mul3A_93, %add3A_94 : i32
      %get3A_96 = arith.index_cast %add3A_95 : i32 to index
      %get3A_97 = tpu.vector_load %arg8[%get3A_96] {strides = array<i32>} : memref<774xf32, #tpu.memory_space<vmem>>, vector<16xf32>,
      %add3A_98 = arith.constant 0 : i32
      %add3A_99 = arith.addi %add3A_98, %scan3A_56 : i32
      %mul3A_100 = arith.constant 86 : i32
      %mul3A_101 = arith.muli %add3A_99, %mul3A_100 : i32
      %add3A_102 = arith.constant 68 : i32
      %add3A_103 = arith.addi %mul3A_101, %add3A_102 : i32
      %get3A_104 = arith.index_cast %add3A_103 : i32 to index
      %get3A_105 = tpu.vector_load %arg8[%get3A_104] {strides = array<i32>} : memref<774xf32, #tpu.memory_space<vmem>>, vector<16xf32>,
      %scan3A_106 = arith.constant 0 : i32
      %scan3A_107 = arith.constant 0 : i32
      %scan3A_108 = arith.constant 32 : i32
      %scan3A_109 = arith.addi %scan3A_107, %scan3A_108 : i32
      %scan3A_110 = arith.constant 4 : i32
      %scan3A_111 = scf.for %scan3A_114 = %scan3A_107 to %scan3A_109 step %scan3A_110 iter_args(%scan3A_115 = %scan3A_106) -> (i32)  : i32 {
        %mul3A_116 = arith.constant 32 : i32
        %mul3A_117 = arith.muli %scan3A_56, %mul3A_116 : i32
        %add3A_118 = arith.addi %mul3A_117, %scan3A_114 : i32
        %mul3A_119 = arith.constant 86 : i32
        %mul3A_120 = arith.muli %scan3A_114, %mul3A_119 : i32
        %add3A_121 = arith.constant 0 : i32
        %add3A_122 = arith.addi %mul3A_120, %add3A_121 : i32
        %get3A_123 = arith.index_cast %add3A_122 : i32 to index
        %get3A_124 = tpu.vector_load %arg7[%get3A_123] {strides = array<i32>} : memref<2752xf32, #tpu.memory_space<vmem>>, vector<16xf32>,
        %swap3A = arith.index_cast %add3A_118 : i32 to index
        %swap3A_125 = arith.constant 0 : index
        %swap3A_126 = tpu.vector_load %arg9[%swap3A, %swap3A_125] {strides = array<i32>} : memref<288x256xf32, #tpu.memory_space<vmem>>, vector<16xf32>,
        tpu.vector_store %arg9[%swap3A, %swap3A_125], %get3A_124 {strides = array<i32>} : memref<288x256xf32, #tpu.memory_space<vmem>>, vector<16xf32>,
        %mul3A_127 = arith.constant 86 : i32
        %mul3A_128 = arith.muli %scan3A_114, %mul3A_127 : i32
        %add3A_129 = arith.constant 16 : i32
        %add3A_130 = arith.addi %mul3A_128, %add3A_129 : i32
        %get3A_131 = arith.index_cast %add3A_130 : i32 to index
        %get3A_132 = tpu.vector_load %arg7[%get3A_131] {strides = array<i32>} : memref<2752xf32, #tpu.memory_space<vmem>>, vector<16xf32>,
        %swap3A_133 = arith.index_cast %add3A_118 : i32 to index
        %swap3A_134 = arith.constant 16 : index
        %swap3A_135 = tpu.vector_load %arg9[%swap3A_133, %swap3A_134] {strides = array<i32>} : memref<288x256xf32, #tpu.memory_space<vmem>>, vector<16xf32>,
        tpu.vector_store %arg9[%swap3A_133, %swap3A_134], %get3A_132 {strides = array<i32>} : memref<288x256xf32, #tpu.memory_space<vmem>>, vector<16xf32>,
        %mul3A_136 = arith.constant 86 : i32
        %mul3A_137 = arith.muli %scan3A_114, %mul3A_136 : i32
        %add3A_138 = arith.constant 32 : i32
        %add3A_139 = arith.addi %mul3A_137, %add3A_138 : i32
        %get3A_140 = arith.index_cast %add3A_139 : i32 to index
        %get3A_141 = tpu.vector_load %arg7[%get3A_140] {strides = array<i32>} : memref<2752xf32, #tpu.memory_space<vmem>>, vector<16xf32>,
        %swap3A_142 = arith.index_cast %add3A_118 : i32 to index
        %swap3A_143 = arith.constant 32 : index
        %swap3A_144 = tpu.vector_load %arg9[%swap3A_142, %swap3A_143] {strides = array<i32>} : memref<288x256xf32, #tpu.memory_space<vmem>>, vector<16xf32>,
        tpu.vector_store %arg9[%swap3A_142, %swap3A_143], %get3A_141 {strides = array<i32>} : memref<288x256xf32, #tpu.memory_space<vmem>>, vector<16xf32>,
        %mul3A_145 = arith.constant 86 : i32
        %mul3A_146 = arith.muli %scan3A_114, %mul3A_145 : i32
        %add3A_147 = arith.constant 48 : i32
        %add3A_148 = arith.addi %mul3A_146, %add3A_147 : i32
        %get3A_149 = arith.index_cast %add3A_148 : i32 to index
        %get3A_150 = tpu.vector_load %arg7[%get3A_149] {strides = array<i32>} : memref<2752xf32, #tpu.memory_space<vmem>>, vector<16xf32>,
        %swap3A_151 = arith.index_cast %add3A_118 : i32 to index
        %swap3A_152 = arith.constant 48 : index
        %swap3A_153 = tpu.vector_load %arg9[%swap3A_151, %swap3A_152] {strides = array<i32>} : memref<288x256xf32, #tpu.memory_space<vmem>>, vector<16xf32>,
        tpu.vector_store %arg9[%swap3A_151, %swap3A_152], %get3A_150 {strides = array<i32>} : memref<288x256xf32, #tpu.memory_space<vmem>>, vector<16xf32>,
        %mul3A_154 = arith.constant 86 : i32
        %mul3A_155 = arith.muli %scan3A_114, %mul3A_154 : i32
        %add3A_156 = arith.constant 64 : i32
        %add3A_157 = arith.addi %mul3A_155, %add3A_156 : i32
        %get3A_158 = arith.index_cast %add3A_157 : i32 to index
        %get3A_159 = tpu.vector_load %arg7[%get3A_158] {strides = array<i32>} : memref<2752xf32, #tpu.memory_space<vmem>>, vector<16xf32>,
        %swap3A_160 = arith.index_cast %add3A_118 : i32 to index
        %swap3A_161 = arith.constant 64 : index
        %swap3A_162 = tpu.vector_load %arg9[%swap3A_160, %swap3A_161] {strides = array<i32>} : memref<288x256xf32, #tpu.memory_space<vmem>>, vector<16xf32>,
        tpu.vector_store %arg9[%swap3A_160, %swap3A_161], %get3A_159 {strides = array<i32>} : memref<288x256xf32, #tpu.memory_space<vmem>>, vector<16xf32>,
        %mul3A_163 = arith.constant 86 : i32
        %mul3A_164 = arith.muli %scan3A_114, %mul3A_163 : i32
        %add3A_165 = arith.constant 70 : i32
        %add3A_166 = arith.addi %mul3A_164, %add3A_165 : i32
        %get3A_167 = arith.index_cast %add3A_166 : i32 to index
        %get3A_168 = tpu.vector_load %arg7[%get3A_167] {strides = array<i32>} : memref<2752xf32, #tpu.memory_space<vmem>>, vector<16xf32>,
        %swap3A_169 = arith.index_cast %add3A_118 : i32 to index
        %swap3A_170 = arith.constant 70 : index
        %swap3A_171 = tpu.vector_load %arg9[%swap3A_169, %swap3A_170] {strides = array<i32>} : memref<288x256xf32, #tpu.memory_space<vmem>>, vector<16xf32>,
        tpu.vector_store %arg9[%swap3A_169, %swap3A_170], %get3A_168 {strides = array<i32>} : memref<288x256xf32, #tpu.memory_space<vmem>>, vector<16xf32>,
        %swap3A_172 = arith.index_cast %add3A_118 : i32 to index
        %swap3A_173 = arith.constant 86 : index
        %swap3A_174 = tpu.vector_load %arg9[%swap3A_172, %swap3A_173] {strides = array<i32>} : memref<288x256xf32, #tpu.memory_space<vmem>>, vector<16xf32>,
        tpu.vector_store %arg9[%swap3A_172, %swap3A_173], %get3A_5 {strides = array<i32>} : memref<288x256xf32, #tpu.memory_space<vmem>>, vector<16xf32>,
        %swap3A_175 = arith.index_cast %add3A_118 : i32 to index
        %swap3A_176 = arith.constant 102 : index
        %swap3A_177 = tpu.vector_load %arg9[%swap3A_175, %swap3A_176] {strides = array<i32>} : memref<288x256xf32, #tpu.memory_space<vmem>>, vector<16xf32>,
        tpu.vector_store %arg9[%swap3A_175, %swap3A_176], %get3A_11 {strides = array<i32>} : memref<288x256xf32, #tpu.memory_space<vmem>>, vector<16xf32>,
        %swap3A_178 = arith.index_cast %add3A_118 : i32 to index
        %swap3A_179 = arith.constant 112 : index
        %swap3A_180 = tpu.vector_load %arg9[%swap3A_178, %swap3A_179] {strides = array<i32>} : memref<288x256xf32, #tpu.memory_space<vmem>>, vector<16xf32>,
        tpu.vector_store %arg9[%swap3A_178, %swap3A_179], %get3A_17 {strides = array<i32>} : memref<288x256xf32, #tpu.memory_space<vmem>>, vector<16xf32>,
        %swap3A_181 = arith.index_cast %add3A_118 : i32 to index
        %swap3A_182 = arith.constant 128 : index
        %swap3A_183 = tpu.vector_load %arg9[%swap3A_181, %swap3A_182] {strides = array<i32>} : memref<288x256xf32, #tpu.memory_space<vmem>>, vector<16xf32>,
        tpu.vector_store %arg9[%swap3A_181, %swap3A_182], %get3A_23 {strides = array<i32>} : memref<288x256xf32, #tpu.memory_space<vmem>>, vector<16xf32>,
        %swap3A_184 = arith.index_cast %add3A_118 : i32 to index
        %swap3A_185 = arith.constant 144 : index
        %swap3A_186 = tpu.vector_load %arg9[%swap3A_184, %swap3A_185] {strides = array<i32>} : memref<288x256xf32, #tpu.memory_space<vmem>>, vector<16xf32>,
        tpu.vector_store %arg9[%swap3A_184, %swap3A_185], %get3A_29 {strides = array<i32>} : memref<288x256xf32, #tpu.memory_space<vmem>>, vector<16xf32>,
        %swap3A_187 = arith.index_cast %add3A_118 : i32 to index
        %swap3A_188 = arith.constant 156 : index
        %swap3A_189 = tpu.vector_load %arg9[%swap3A_187, %swap3A_188] {strides = array<i32>} : memref<288x256xf32, #tpu.memory_space<vmem>>, vector<16xf32>,
        tpu.vector_store %arg9[%swap3A_187, %swap3A_188], %get3A_35 {strides = array<i32>} : memref<288x256xf32, #tpu.memory_space<vmem>>, vector<16xf32>,
        %swap3A_190 = arith.index_cast %add3A_118 : i32 to index
        %swap3A_191 = arith.constant 172 : index
        %swap3A_192 = tpu.vector_load %arg9[%swap3A_190, %swap3A_191] {strides = array<i32>} : memref<288x256xf32, #tpu.memory_space<vmem>>, vector<16xf32>,
        tpu.vector_store %arg9[%swap3A_190, %swap3A_191], %get3A_65 {strides = array<i32>} : memref<288x256xf32, #tpu.memory_space<vmem>>, vector<16xf32>,
        %swap3A_193 = arith.index_cast %add3A_118 : i32 to index
        %swap3A_194 = arith.constant 188 : index
        %swap3A_195 = tpu.vector_load %arg9[%swap3A_193, %swap3A_194] {strides = array<i32>} : memref<288x256xf32, #tpu.memory_space<vmem>>, vector<16xf32>,
        tpu.vector_store %arg9[%swap3A_193, %swap3A_194], %get3A_73 {strides = array<i32>} : memref<288x256xf32, #tpu.memory_space<vmem>>, vector<16xf32>,
        %swap3A_196 = arith.index_cast %add3A_118 : i32 to index
        %swap3A_197 = arith.constant 204 : index
        %swap3A_198 = tpu.vector_load %arg9[%swap3A_196, %swap3A_197] {strides = array<i32>} : memref<288x256xf32, #tpu.memory_space<vmem>>, vector<16xf32>,
        tpu.vector_store %arg9[%swap3A_196, %swap3A_197], %get3A_81 {strides = array<i32>} : memref<288x256xf32, #tpu.memory_space<vmem>>, vector<16xf32>,
        %swap3A_199 = arith.index_cast %add3A_118 : i32 to index
        %swap3A_200 = arith.constant 220 : index
        %swap3A_201 = tpu.vector_load %arg9[%swap3A_199, %swap3A_200] {strides = array<i32>} : memref<288x256xf32, #tpu.memory_space<vmem>>, vector<16xf32>,
        tpu.vector_store %arg9[%swap3A_199, %swap3A_200], %get3A_89 {strides = array<i32>} : memref<288x256xf32, #tpu.memory_space<vmem>>, vector<16xf32>,
        %swap3A_202 = arith.index_cast %add3A_118 : i32 to index
        %swap3A_203 = arith.constant 236 : index
        %swap3A_204 = tpu.vector_load %arg9[%swap3A_202, %swap3A_203] {strides = array<i32>} : memref<288x256xf32, #tpu.memory_space<vmem>>, vector<16xf32>,
        tpu.vector_store %arg9[%swap3A_202, %swap3A_203], %get3A_97 {strides = array<i32>} : memref<288x256xf32, #tpu.memory_space<vmem>>, vector<16xf32>,
        %swap3A_205 = arith.index_cast %add3A_118 : i32 to index
        %swap3A_206 = arith.constant 240 : index
        %swap3A_207 = tpu.vector_load %arg9[%swap3A_205, %swap3A_206] {strides = array<i32>} : memref<288x256xf32, #tpu.memory_space<vmem>>, vector<16xf32>,
        tpu.vector_store %arg9[%swap3A_205, %swap3A_206], %get3A_105 {strides = array<i32>} : memref<288x256xf32, #tpu.memory_space<vmem>>, vector<16xf32>,
        %scan3A_208 = arith.constant 0 : i32
        %scan3A_209 = arith.constant 1 : i32
        %scan3A_210 = arith.addi %scan3A_114, %scan3A_209 : i32
        %mul3A_211 = arith.constant 32 : i32
        %mul3A_212 = arith.muli %scan3A_56, %mul3A_211 : i32
        %add3A_213 = arith.addi %mul3A_212, %scan3A_210 : i32
        %mul3A_214 = arith.constant 86 : i32
        %mul3A_215 = arith.muli %scan3A_210, %mul3A_214 : i32
        %add3A_216 = arith.constant 0 : i32
        %add3A_217 = arith.addi %mul3A_215, %add3A_216 : i32
        %get3A_218 = arith.index_cast %add3A_217 : i32 to index
        %get3A_219 = tpu.vector_load %arg7[%get3A_218] {strides = array<i32>} : memref<2752xf32, #tpu.memory_space<vmem>>, vector<16xf32>,
        %swap3A_220 = arith.index_cast %add3A_213 : i32 to index
        %swap3A_221 = arith.constant 0 : index
        %swap3A_222 = tpu.vector_load %arg9[%swap3A_220, %swap3A_221] {strides = array<i32>} : memref<288x256xf32, #tpu.memory_space<vmem>>, vector<16xf32>,
        tpu.vector_store %arg9[%swap3A_220, %swap3A_221], %get3A_219 {strides = array<i32>} : memref<288x256xf32, #tpu.memory_space<vmem>>, vector<16xf32>,
        %mul3A_223 = arith.constant 86 : i32
        %mul3A_224 = arith.muli %scan3A_210, %mul3A_223 : i32
        %add3A_225 = arith.constant 16 : i32
        %add3A_226 = arith.addi %mul3A_224, %add3A_225 : i32
        %get3A_227 = arith.index_cast %add3A_226 : i32 to index
        %get3A_228 = tpu.vector_load %arg7[%get3A_227] {strides = array<i32>} : memref<2752xf32, #tpu.memory_space<vmem>>, vector<16xf32>,
        %swap3A_229 = arith.index_cast %add3A_213 : i32 to index
        %swap3A_230 = arith.constant 16 : index
        %swap3A_231 = tpu.vector_load %arg9[%swap3A_229, %swap3A_230] {strides = array<i32>} : memref<288x256xf32, #tpu.memory_space<vmem>>, vector<16xf32>,
        tpu.vector_store %arg9[%swap3A_229, %swap3A_230], %get3A_228 {strides = array<i32>} : memref<288x256xf32, #tpu.memory_space<vmem>>, vector<16xf32>,
        %mul3A_232 = arith.constant 86 : i32
        %mul3A_233 = arith.muli %scan3A_210, %mul3A_232 : i32
        %add3A_234 = arith.constant 32 : i32
        %add3A_235 = arith.addi %mul3A_233, %add3A_234 : i32
        %get3A_236 = arith.index_cast %add3A_235 : i32 to index
        %get3A_237 = tpu.vector_load %arg7[%get3A_236] {strides = array<i32>} : memref<2752xf32, #tpu.memory_space<vmem>>, vector<16xf32>,
        %swap3A_238 = arith.index_cast %add3A_213 : i32 to index
        %swap3A_239 = arith.constant 32 : index
        %swap3A_240 = tpu.vector_load %arg9[%swap3A_238, %swap3A_239] {strides = array<i32>} : memref<288x256xf32, #tpu.memory_space<vmem>>, vector<16xf32>,
        tpu.vector_store %arg9[%swap3A_238, %swap3A_239], %get3A_237 {strides = array<i32>} : memref<288x256xf32, #tpu.memory_space<vmem>>, vector<16xf32>,
        %mul3A_241 = arith.constant 86 : i32
        %mul3A_242 = arith.muli %scan3A_210, %mul3A_241 : i32
        %add3A_243 = arith.constant 48 : i32
        %add3A_244 = arith.addi %mul3A_242, %add3A_243 : i32
        %get3A_245 = arith.index_cast %add3A_244 : i32 to index
        %get3A_246 = tpu.vector_load %arg7[%get3A_245] {strides = array<i32>} : memref<2752xf32, #tpu.memory_space<vmem>>, vector<16xf32>,
        %swap3A_247 = arith.index_cast %add3A_213 : i32 to index
        %swap3A_248 = arith.constant 48 : index
        %swap3A_249 = tpu.vector_load %arg9[%swap3A_247, %swap3A_248] {strides = array<i32>} : memref<288x256xf32, #tpu.memory_space<vmem>>, vector<16xf32>,
        tpu.vector_store %arg9[%swap3A_247, %swap3A_248], %get3A_246 {strides = array<i32>} : memref<288x256xf32, #tpu.memory_space<vmem>>, vector<16xf32>,
        %mul3A_250 = arith.constant 86 : i32
        %mul3A_251 = arith.muli %scan3A_210, %mul3A_250 : i32
        %add3A_252 = arith.constant 64 : i32
        %add3A_253 = arith.addi %mul3A_251, %add3A_252 : i32
        %get3A_254 = arith.index_cast %add3A_253 : i32 to index
        %get3A_255 = tpu.vector_load %arg7[%get3A_254] {strides = array<i32>} : memref<2752xf32, #tpu.memory_space<vmem>>, vector<16xf32>,
        %swap3A_256 = arith.index_cast %add3A_213 : i32 to index
        %swap3A_257 = arith.constant 64 : index
        %swap3A_258 = tpu.vector_load %arg9[%swap3A_256, %swap3A_257] {strides = array<i32>} : memref<288x256xf32, #tpu.memory_space<vmem>>, vector<16xf32>,
        tpu.vector_store %arg9[%swap3A_256, %swap3A_257], %get3A_255 {strides = array<i32>} : memref<288x256xf32, #tpu.memory_space<vmem>>, vector<16xf32>,
        %mul3A_259 = arith.constant 86 : i32
        %mul3A_260 = arith.muli %scan3A_210, %mul3A_259 : i32
        %add3A_261 = arith.constant 70 : i32
        %add3A_262 = arith.addi %mul3A_260, %add3A_261 : i32
        %get3A_263 = arith.index_cast %add3A_262 : i32 to index
        %get3A_264 = tpu.vector_load %arg7[%get3A_263] {strides = array<i32>} : memref<2752xf32, #tpu.memory_space<vmem>>, vector<16xf32>,
        %swap3A_265 = arith.index_cast %add3A_213 : i32 to index
        %swap3A_266 = arith.constant 70 : index
        %swap3A_267 = tpu.vector_load %arg9[%swap3A_265, %swap3A_266] {strides = array<i32>} : memref<288x256xf32, #tpu.memory_space<vmem>>, vector<16xf32>,
        tpu.vector_store %arg9[%swap3A_265, %swap3A_266], %get3A_264 {strides = array<i32>} : memref<288x256xf32, #tpu.memory_space<vmem>>, vector<16xf32>,
        %swap3A_268 = arith.index_cast %add3A_213 : i32 to index
        %swap3A_269 = arith.constant 86 : index
        %swap3A_270 = tpu.vector_load %arg9[%swap3A_268, %swap3A_269] {strides = array<i32>} : memref<288x256xf32, #tpu.memory_space<vmem>>, vector<16xf32>,
        tpu.vector_store %arg9[%swap3A_268, %swap3A_269], %get3A_5 {strides = array<i32>} : memref<288x256xf32, #tpu.memory_space<vmem>>, vector<16xf32>,
        %swap3A_271 = arith.index_cast %add3A_213 : i32 to index
        %swap3A_272 = arith.constant 102 : index
        %swap3A_273 = tpu.vector_load %arg9[%swap3A_271, %swap3A_272] {strides = array<i32>} : memref<288x256xf32, #tpu.memory_space<vmem>>, vector<16xf32>,
        tpu.vector_store %arg9[%swap3A_271, %swap3A_272], %get3A_11 {strides = array<i32>} : memref<288x256xf32, #tpu.memory_space<vmem>>, vector<16xf32>,
        %swap3A_274 = arith.index_cast %add3A_213 : i32 to index
        %swap3A_275 = arith.constant 112 : index
        %swap3A_276 = tpu.vector_load %arg9[%swap3A_274, %swap3A_275] {strides = array<i32>} : memref<288x256xf32, #tpu.memory_space<vmem>>, vector<16xf32>,
        tpu.vector_store %arg9[%swap3A_274, %swap3A_275], %get3A_17 {strides = array<i32>} : memref<288x256xf32, #tpu.memory_space<vmem>>, vector<16xf32>,
        %swap3A_277 = arith.index_cast %add3A_213 : i32 to index
        %swap3A_278 = arith.constant 128 : index
        %swap3A_279 = tpu.vector_load %arg9[%swap3A_277, %swap3A_278] {strides = array<i32>} : memref<288x256xf32, #tpu.memory_space<vmem>>, vector<16xf32>,
        tpu.vector_store %arg9[%swap3A_277, %swap3A_278], %get3A_23 {strides = array<i32>} : memref<288x256xf32, #tpu.memory_space<vmem>>, vector<16xf32>,
        %swap3A_280 = arith.index_cast %add3A_213 : i32 to index
        %swap3A_281 = arith.constant 144 : index
        %swap3A_282 = tpu.vector_load %arg9[%swap3A_280, %swap3A_281] {strides = array<i32>} : memref<288x256xf32, #tpu.memory_space<vmem>>, vector<16xf32>,
        tpu.vector_store %arg9[%swap3A_280, %swap3A_281], %get3A_29 {strides = array<i32>} : memref<288x256xf32, #tpu.memory_space<vmem>>, vector<16xf32>,
        %swap3A_283 = arith.index_cast %add3A_213 : i32 to index
        %swap3A_284 = arith.constant 156 : index
        %swap3A_285 = tpu.vector_load %arg9[%swap3A_283, %swap3A_284] {strides = array<i32>} : memref<288x256xf32, #tpu.memory_space<vmem>>, vector<16xf32>,
        tpu.vector_store %arg9[%swap3A_283, %swap3A_284], %get3A_35 {strides = array<i32>} : memref<288x256xf32, #tpu.memory_space<vmem>>, vector<16xf32>,
        %swap3A_286 = arith.index_cast %add3A_213 : i32 to index
        %swap3A_287 = arith.constant 172 : index
        %swap3A_288 = tpu.vector_load %arg9[%swap3A_286, %swap3A_287] {strides = array<i32>} : memref<288x256xf32, #tpu.memory_space<vmem>>, vector<16xf32>,
        tpu.vector_store %arg9[%swap3A_286, %swap3A_287], %get3A_65 {strides = array<i32>} : memref<288x256xf32, #tpu.memory_space<vmem>>, vector<16xf32>,
        %swap3A_289 = arith.index_cast %add3A_213 : i32 to index
        %swap3A_290 = arith.constant 188 : index
        %swap3A_291 = tpu.vector_load %arg9[%swap3A_289, %swap3A_290] {strides = array<i32>} : memref<288x256xf32, #tpu.memory_space<vmem>>, vector<16xf32>,
        tpu.vector_store %arg9[%swap3A_289, %swap3A_290], %get3A_73 {strides = array<i32>} : memref<288x256xf32, #tpu.memory_space<vmem>>, vector<16xf32>,
        %swap3A_292 = arith.index_cast %add3A_213 : i32 to index
        %swap3A_293 = arith.constant 204 : index
        %swap3A_294 = tpu.vector_load %arg9[%swap3A_292, %swap3A_293] {strides = array<i32>} : memref<288x256xf32, #tpu.memory_space<vmem>>, vector<16xf32>,
        tpu.vector_store %arg9[%swap3A_292, %swap3A_293], %get3A_81 {strides = array<i32>} : memref<288x256xf32, #tpu.memory_space<vmem>>, vector<16xf32>,
        %swap3A_295 = arith.index_cast %add3A_213 : i32 to index
        %swap3A_296 = arith.constant 220 : index
        %swap3A_297 = tpu.vector_load %arg9[%swap3A_295, %swap3A_296] {strides = array<i32>} : memref<288x256xf32, #tpu.memory_space<vmem>>, vector<16xf32>,
        tpu.vector_store %arg9[%swap3A_295, %swap3A_296], %get3A_89 {strides = array<i32>} : memref<288x256xf32, #tpu.memory_space<vmem>>, vector<16xf32>,
        %swap3A_298 = arith.index_cast %add3A_213 : i32 to index
        %swap3A_299 = arith.constant 236 : index
        %swap3A_300 = tpu.vector_load %arg9[%swap3A_298, %swap3A_299] {strides = array<i32>} : memref<288x256xf32, #tpu.memory_space<vmem>>, vector<16xf32>,
        tpu.vector_store %arg9[%swap3A_298, %swap3A_299], %get3A_97 {strides = array<i32>} : memref<288x256xf32, #tpu.memory_space<vmem>>, vector<16xf32>,
        %swap3A_301 = arith.index_cast %add3A_213 : i32 to index
        %swap3A_302 = arith.constant 240 : index
        %swap3A_303 = tpu.vector_load %arg9[%swap3A_301, %swap3A_302] {strides = array<i32>} : memref<288x256xf32, #tpu.memory_space<vmem>>, vector<16xf32>,
        tpu.vector_store %arg9[%swap3A_301, %swap3A_302], %get3A_105 {strides = array<i32>} : memref<288x256xf32, #tpu.memory_space<vmem>>, vector<16xf32>,
        %scan3A_304 = arith.constant 0 : i32
        %scan3A_305 = arith.constant 2 : i32
        %scan3A_306 = arith.addi %scan3A_114, %scan3A_305 : i32
        %mul3A_307 = arith.constant 32 : i32
        %mul3A_308 = arith.muli %scan3A_56, %mul3A_307 : i32
        %add3A_309 = arith.addi %mul3A_308, %scan3A_306 : i32
        %mul3A_310 = arith.constant 86 : i32
        %mul3A_311 = arith.muli %scan3A_306, %mul3A_310 : i32
        %add3A_312 = arith.constant 0 : i32
        %add3A_313 = arith.addi %mul3A_311, %add3A_312 : i32
        %get3A_314 = arith.index_cast %add3A_313 : i32 to index
        %get3A_315 = tpu.vector_load %arg7[%get3A_314] {strides = array<i32>} : memref<2752xf32, #tpu.memory_space<vmem>>, vector<16xf32>,
        %swap3A_316 = arith.index_cast %add3A_309 : i32 to index
        %swap3A_317 = arith.constant 0 : index
        %swap3A_318 = tpu.vector_load %arg9[%swap3A_316, %swap3A_317] {strides = array<i32>} : memref<288x256xf32, #tpu.memory_space<vmem>>, vector<16xf32>,
        tpu.vector_store %arg9[%swap3A_316, %swap3A_317], %get3A_315 {strides = array<i32>} : memref<288x256xf32, #tpu.memory_space<vmem>>, vector<16xf32>,
        %mul3A_319 = arith.constant 86 : i32
        %mul3A_320 = arith.muli %scan3A_306, %mul3A_319 : i32
        %add3A_321 = arith.constant 16 : i32
        %add3A_322 = arith.addi %mul3A_320, %add3A_321 : i32
        %get3A_323 = arith.index_cast %add3A_322 : i32 to index
        %get3A_324 = tpu.vector_load %arg7[%get3A_323] {strides = array<i32>} : memref<2752xf32, #tpu.memory_space<vmem>>, vector<16xf32>,
        %swap3A_325 = arith.index_cast %add3A_309 : i32 to index
        %swap3A_326 = arith.constant 16 : index
        %swap3A_327 = tpu.vector_load %arg9[%swap3A_325, %swap3A_326] {strides = array<i32>} : memref<288x256xf32, #tpu.memory_space<vmem>>, vector<16xf32>,
        tpu.vector_store %arg9[%swap3A_325, %swap3A_326], %get3A_324 {strides = array<i32>} : memref<288x256xf32, #tpu.memory_space<vmem>>, vector<16xf32>,
        %mul3A_328 = arith.constant 86 : i32
        %mul3A_329 = arith.muli %scan3A_306, %mul3A_328 : i32
        %add3A_330 = arith.constant 32 : i32
        %add3A_331 = arith.addi %mul3A_329, %add3A_330 : i32
        %get3A_332 = arith.index_cast %add3A_331 : i32 to index
        %get3A_333 = tpu.vector_load %arg7[%get3A_332] {strides = array<i32>} : memref<2752xf32, #tpu.memory_space<vmem>>, vector<16xf32>,
        %swap3A_334 = arith.index_cast %add3A_309 : i32 to index
        %swap3A_335 = arith.constant 32 : index
        %swap3A_336 = tpu.vector_load %arg9[%swap3A_334, %swap3A_335] {strides = array<i32>} : memref<288x256xf32, #tpu.memory_space<vmem>>, vector<16xf32>,
        tpu.vector_store %arg9[%swap3A_334, %swap3A_335], %get3A_333 {strides = array<i32>} : memref<288x256xf32, #tpu.memory_space<vmem>>, vector<16xf32>,
        %mul3A_337 = arith.constant 86 : i32
        %mul3A_338 = arith.muli %scan3A_306, %mul3A_337 : i32
        %add3A_339 = arith.constant 48 : i32
        %add3A_340 = arith.addi %mul3A_338, %add3A_339 : i32
        %get3A_341 = arith.index_cast %add3A_340 : i32 to index
        %get3A_342 = tpu.vector_load %arg7[%get3A_341] {strides = array<i32>} : memref<2752xf32, #tpu.memory_space<vmem>>, vector<16xf32>,
        %swap3A_343 = arith.index_cast %add3A_309 : i32 to index
        %swap3A_344 = arith.constant 48 : index
        %swap3A_345 = tpu.vector_load %arg9[%swap3A_343, %swap3A_344] {strides = array<i32>} : memref<288x256xf32, #tpu.memory_space<vmem>>, vector<16xf32>,
        tpu.vector_store %arg9[%swap3A_343, %swap3A_344], %get3A_342 {strides = array<i32>} : memref<288x256xf32, #tpu.memory_space<vmem>>, vector<16xf32>,
        %mul3A_346 = arith.constant 86 : i32
        %mul3A_347 = arith.muli %scan3A_306, %mul3A_346 : i32
        %add3A_348 = arith.constant 64 : i32
        %add3A_349 = arith.addi %mul3A_347, %add3A_348 : i32
        %get3A_350 = arith.index_cast %add3A_349 : i32 to index
        %get3A_351 = tpu.vector_load %arg7[%get3A_350] {strides = array<i32>} : memref<2752xf32, #tpu.memory_space<vmem>>, vector<16xf32>,
        %swap3A_352 = arith.index_cast %add3A_309 : i32 to index
        %swap3A_353 = arith.constant 64 : index
        %swap3A_354 = tpu.vector_load %arg9[%swap3A_352, %swap3A_353] {strides = array<i32>} : memref<288x256xf32, #tpu.memory_space<vmem>>, vector<16xf32>,
        tpu.vector_store %arg9[%swap3A_352, %swap3A_353], %get3A_351 {strides = array<i32>} : memref<288x256xf32, #tpu.memory_space<vmem>>, vector<16xf32>,
        %mul3A_355 = arith.constant 86 : i32
        %mul3A_356 = arith.muli %scan3A_306, %mul3A_355 : i32
        %add3A_357 = arith.constant 70 : i32
        %add3A_358 = arith.addi %mul3A_356, %add3A_357 : i32
        %get3A_359 = arith.index_cast %add3A_358 : i32 to index
        %get3A_360 = tpu.vector_load %arg7[%get3A_359] {strides = array<i32>} : memref<2752xf32, #tpu.memory_space<vmem>>, vector<16xf32>,
        %swap3A_361 = arith.index_cast %add3A_309 : i32 to index
        %swap3A_362 = arith.constant 70 : index
        %swap3A_363 = tpu.vector_load %arg9[%swap3A_361, %swap3A_362] {strides = array<i32>} : memref<288x256xf32, #tpu.memory_space<vmem>>, vector<16xf32>,
        tpu.vector_store %arg9[%swap3A_361, %swap3A_362], %get3A_360 {strides = array<i32>} : memref<288x256xf32, #tpu.memory_space<vmem>>, vector<16xf32>,
        %swap3A_364 = arith.index_cast %add3A_309 : i32 to index
        %swap3A_365 = arith.constant 86 : index
        %swap3A_366 = tpu.vector_load %arg9[%swap3A_364, %swap3A_365] {strides = array<i32>} : memref<288x256xf32, #tpu.memory_space<vmem>>, vector<16xf32>,
        tpu.vector_store %arg9[%swap3A_364, %swap3A_365], %get3A_5 {strides = array<i32>} : memref<288x256xf32, #tpu.memory_space<vmem>>, vector<16xf32>,
        %swap3A_367 = arith.index_cast %add3A_309 : i32 to index
        %swap3A_368 = arith.constant 102 : index
        %swap3A_369 = tpu.vector_load %arg9[%swap3A_367, %swap3A_368] {strides = array<i32>} : memref<288x256xf32, #tpu.memory_space<vmem>>, vector<16xf32>,
        tpu.vector_store %arg9[%swap3A_367, %swap3A_368], %get3A_11 {strides = array<i32>} : memref<288x256xf32, #tpu.memory_space<vmem>>, vector<16xf32>,
        %swap3A_370 = arith.index_cast %add3A_309 : i32 to index
        %swap3A_371 = arith.constant 112 : index
        %swap3A_372 = tpu.vector_load %arg9[%swap3A_370, %swap3A_371] {strides = array<i32>} : memref<288x256xf32, #tpu.memory_space<vmem>>, vector<16xf32>,
        tpu.vector_store %arg9[%swap3A_370, %swap3A_371], %get3A_17 {strides = array<i32>} : memref<288x256xf32, #tpu.memory_space<vmem>>, vector<16xf32>,
        %swap3A_373 = arith.index_cast %add3A_309 : i32 to index
        %swap3A_374 = arith.constant 128 : index
        %swap3A_375 = tpu.vector_load %arg9[%swap3A_373, %swap3A_374] {strides = array<i32>} : memref<288x256xf32, #tpu.memory_space<vmem>>, vector<16xf32>,
        tpu.vector_store %arg9[%swap3A_373, %swap3A_374], %get3A_23 {strides = array<i32>} : memref<288x256xf32, #tpu.memory_space<vmem>>, vector<16xf32>,
        %swap3A_376 = arith.index_cast %add3A_309 : i32 to index
        %swap3A_377 = arith.constant 144 : index
        %swap3A_378 = tpu.vector_load %arg9[%swap3A_376, %swap3A_377] {strides = array<i32>} : memref<288x256xf32, #tpu.memory_space<vmem>>, vector<16xf32>,
        tpu.vector_store %arg9[%swap3A_376, %swap3A_377], %get3A_29 {strides = array<i32>} : memref<288x256xf32, #tpu.memory_space<vmem>>, vector<16xf32>,
        %swap3A_379 = arith.index_cast %add3A_309 : i32 to index
        %swap3A_380 = arith.constant 156 : index
        %swap3A_381 = tpu.vector_load %arg9[%swap3A_379, %swap3A_380] {strides = array<i32>} : memref<288x256xf32, #tpu.memory_space<vmem>>, vector<16xf32>,
        tpu.vector_store %arg9[%swap3A_379, %swap3A_380], %get3A_35 {strides = array<i32>} : memref<288x256xf32, #tpu.memory_space<vmem>>, vector<16xf32>,
        %swap3A_382 = arith.index_cast %add3A_309 : i32 to index
        %swap3A_383 = arith.constant 172 : index
        %swap3A_384 = tpu.vector_load %arg9[%swap3A_382, %swap3A_383] {strides = array<i32>} : memref<288x256xf32, #tpu.memory_space<vmem>>, vector<16xf32>,
        tpu.vector_store %arg9[%swap3A_382, %swap3A_383], %get3A_65 {strides = array<i32>} : memref<288x256xf32, #tpu.memory_space<vmem>>, vector<16xf32>,
        %swap3A_385 = arith.index_cast %add3A_309 : i32 to index
        %swap3A_386 = arith.constant 188 : index
        %swap3A_387 = tpu.vector_load %arg9[%swap3A_385, %swap3A_386] {strides = array<i32>} : memref<288x256xf32, #tpu.memory_space<vmem>>, vector<16xf32>,
        tpu.vector_store %arg9[%swap3A_385, %swap3A_386], %get3A_73 {strides = array<i32>} : memref<288x256xf32, #tpu.memory_space<vmem>>, vector<16xf32>,
        %swap3A_388 = arith.index_cast %add3A_309 : i32 to index
        %swap3A_389 = arith.constant 204 : index
        %swap3A_390 = tpu.vector_load %arg9[%swap3A_388, %swap3A_389] {strides = array<i32>} : memref<288x256xf32, #tpu.memory_space<vmem>>, vector<16xf32>,
        tpu.vector_store %arg9[%swap3A_388, %swap3A_389], %get3A_81 {strides = array<i32>} : memref<288x256xf32, #tpu.memory_space<vmem>>, vector<16xf32>,
        %swap3A_391 = arith.index_cast %add3A_309 : i32 to index
        %swap3A_392 = arith.constant 220 : index
        %swap3A_393 = tpu.vector_load %arg9[%swap3A_391, %swap3A_392] {strides = array<i32>} : memref<288x256xf32, #tpu.memory_space<vmem>>, vector<16xf32>,
        tpu.vector_store %arg9[%swap3A_391, %swap3A_392], %get3A_89 {strides = array<i32>} : memref<288x256xf32, #tpu.memory_space<vmem>>, vector<16xf32>,
        %swap3A_394 = arith.index_cast %add3A_309 : i32 to index
        %swap3A_395 = arith.constant 236 : index
        %swap3A_396 = tpu.vector_load %arg9[%swap3A_394, %swap3A_395] {strides = array<i32>} : memref<288x256xf32, #tpu.memory_space<vmem>>, vector<16xf32>,
        tpu.vector_store %arg9[%swap3A_394, %swap3A_395], %get3A_97 {strides = array<i32>} : memref<288x256xf32, #tpu.memory_space<vmem>>, vector<16xf32>,
        %swap3A_397 = arith.index_cast %add3A_309 : i32 to index
        %swap3A_398 = arith.constant 240 : index
        %swap3A_399 = tpu.vector_load %arg9[%swap3A_397, %swap3A_398] {strides = array<i32>} : memref<288x256xf32, #tpu.memory_space<vmem>>, vector<16xf32>,
        tpu.vector_store %arg9[%swap3A_397, %swap3A_398], %get3A_105 {strides = array<i32>} : memref<288x256xf32, #tpu.memory_space<vmem>>, vector<16xf32>,
        %scan3A_400 = arith.constant 0 : i32
        %scan3A_401 = arith.constant 3 : i32
        %scan3A_402 = arith.addi %scan3A_114, %scan3A_401 : i32
        %mul3A_403 = arith.constant 32 : i32
        %mul3A_404 = arith.muli %scan3A_56, %mul3A_403 : i32
        %add3A_405 = arith.addi %mul3A_404, %scan3A_402 : i32
        %mul3A_406 = arith.constant 86 : i32
        %mul3A_407 = arith.muli %scan3A_402, %mul3A_406 : i32
        %add3A_408 = arith.constant 0 : i32
        %add3A_409 = arith.addi %mul3A_407, %add3A_408 : i32
        %get3A_410 = arith.index_cast %add3A_409 : i32 to index
        %get3A_411 = tpu.vector_load %arg7[%get3A_410] {strides = array<i32>} : memref<2752xf32, #tpu.memory_space<vmem>>, vector<16xf32>,
        %swap3A_412 = arith.index_cast %add3A_405 : i32 to index
        %swap3A_413 = arith.constant 0 : index
        %swap3A_414 = tpu.vector_load %arg9[%swap3A_412, %swap3A_413] {strides = array<i32>} : memref<288x256xf32, #tpu.memory_space<vmem>>, vector<16xf32>,
        tpu.vector_store %arg9[%swap3A_412, %swap3A_413], %get3A_411 {strides = array<i32>} : memref<288x256xf32, #tpu.memory_space<vmem>>, vector<16xf32>,
        %mul3A_415 = arith.constant 86 : i32
        %mul3A_416 = arith.muli %scan3A_402, %mul3A_415 : i32
        %add3A_417 = arith.constant 16 : i32
        %add3A_418 = arith.addi %mul3A_416, %add3A_417 : i32
        %get3A_419 = arith.index_cast %add3A_418 : i32 to index
        %get3A_420 = tpu.vector_load %arg7[%get3A_419] {strides = array<i32>} : memref<2752xf32, #tpu.memory_space<vmem>>, vector<16xf32>,
        %swap3A_421 = arith.index_cast %add3A_405 : i32 to index
        %swap3A_422 = arith.constant 16 : index
        %swap3A_423 = tpu.vector_load %arg9[%swap3A_421, %swap3A_422] {strides = array<i32>} : memref<288x256xf32, #tpu.memory_space<vmem>>, vector<16xf32>,
        tpu.vector_store %arg9[%swap3A_421, %swap3A_422], %get3A_420 {strides = array<i32>} : memref<288x256xf32, #tpu.memory_space<vmem>>, vector<16xf32>,
        %mul3A_424 = arith.constant 86 : i32
        %mul3A_425 = arith.muli %scan3A_402, %mul3A_424 : i32
        %add3A_426 = arith.constant 32 : i32
        %add3A_427 = arith.addi %mul3A_425, %add3A_426 : i32
        %get3A_428 = arith.index_cast %add3A_427 : i32 to index
        %get3A_429 = tpu.vector_load %arg7[%get3A_428] {strides = array<i32>} : memref<2752xf32, #tpu.memory_space<vmem>>, vector<16xf32>,
        %swap3A_430 = arith.index_cast %add3A_405 : i32 to index
        %swap3A_431 = arith.constant 32 : index
        %swap3A_432 = tpu.vector_load %arg9[%swap3A_430, %swap3A_431] {strides = array<i32>} : memref<288x256xf32, #tpu.memory_space<vmem>>, vector<16xf32>,
        tpu.vector_store %arg9[%swap3A_430, %swap3A_431], %get3A_429 {strides = array<i32>} : memref<288x256xf32, #tpu.memory_space<vmem>>, vector<16xf32>,
        %mul3A_433 = arith.constant 86 : i32
        %mul3A_434 = arith.muli %scan3A_402, %mul3A_433 : i32
        %add3A_435 = arith.constant 48 : i32
        %add3A_436 = arith.addi %mul3A_434, %add3A_435 : i32
        %get3A_437 = arith.index_cast %add3A_436 : i32 to index
        %get3A_438 = tpu.vector_load %arg7[%get3A_437] {strides = array<i32>} : memref<2752xf32, #tpu.memory_space<vmem>>, vector<16xf32>,
        %swap3A_439 = arith.index_cast %add3A_405 : i32 to index
        %swap3A_440 = arith.constant 48 : index
        %swap3A_441 = tpu.vector_load %arg9[%swap3A_439, %swap3A_440] {strides = array<i32>} : memref<288x256xf32, #tpu.memory_space<vmem>>, vector<16xf32>,
        tpu.vector_store %arg9[%swap3A_439, %swap3A_440], %get3A_438 {strides = array<i32>} : memref<288x256xf32, #tpu.memory_space<vmem>>, vector<16xf32>,
        %mul3A_442 = arith.constant 86 : i32
        %mul3A_443 = arith.muli %scan3A_402, %mul3A_442 : i32
        %add3A_444 = arith.constant 64 : i32
        %add3A_445 = arith.addi %mul3A_443, %add3A_444 : i32
        %get3A_446 = arith.index_cast %add3A_445 : i32 to index
        %get3A_447 = tpu.vector_load %arg7[%get3A_446] {strides = array<i32>} : memref<2752xf32, #tpu.memory_space<vmem>>, vector<16xf32>,
        %swap3A_448 = arith.index_cast %add3A_405 : i32 to index
        %swap3A_449 = arith.constant 64 : index
        %swap3A_450 = tpu.vector_load %arg9[%swap3A_448, %swap3A_449] {strides = array<i32>} : memref<288x256xf32, #tpu.memory_space<vmem>>, vector<16xf32>,
        tpu.vector_store %arg9[%swap3A_448, %swap3A_449], %get3A_447 {strides = array<i32>} : memref<288x256xf32, #tpu.memory_space<vmem>>, vector<16xf32>,
        %mul3A_451 = arith.constant 86 : i32
        %mul3A_452 = arith.muli %scan3A_402, %mul3A_451 : i32
        %add3A_453 = arith.constant 70 : i32
        %add3A_454 = arith.addi %mul3A_452, %add3A_453 : i32
        %get3A_455 = arith.index_cast %add3A_454 : i32 to index
        %get3A_456 = tpu.vector_load %arg7[%get3A_455] {strides = array<i32>} : memref<2752xf32, #tpu.memory_space<vmem>>, vector<16xf32>,
        %swap3A_457 = arith.index_cast %add3A_405 : i32 to index
        %swap3A_458 = arith.constant 70 : index
        %swap3A_459 = tpu.vector_load %arg9[%swap3A_457, %swap3A_458] {strides = array<i32>} : memref<288x256xf32, #tpu.memory_space<vmem>>, vector<16xf32>,
        tpu.vector_store %arg9[%swap3A_457, %swap3A_458], %get3A_456 {strides = array<i32>} : memref<288x256xf32, #tpu.memory_space<vmem>>, vector<16xf32>,
        %swap3A_460 = arith.index_cast %add3A_405 : i32 to index
        %swap3A_461 = arith.constant 86 : index
        %swap3A_462 = tpu.vector_load %arg9[%swap3A_460, %swap3A_461] {strides = array<i32>} : memref<288x256xf32, #tpu.memory_space<vmem>>, vector<16xf32>,
        tpu.vector_store %arg9[%swap3A_460, %swap3A_461], %get3A_5 {strides = array<i32>} : memref<288x256xf32, #tpu.memory_space<vmem>>, vector<16xf32>,
        %swap3A_463 = arith.index_cast %add3A_405 : i32 to index
        %swap3A_464 = arith.constant 102 : index
        %swap3A_465 = tpu.vector_load %arg9[%swap3A_463, %swap3A_464] {strides = array<i32>} : memref<288x256xf32, #tpu.memory_space<vmem>>, vector<16xf32>,
        tpu.vector_store %arg9[%swap3A_463, %swap3A_464], %get3A_11 {strides = array<i32>} : memref<288x256xf32, #tpu.memory_space<vmem>>, vector<16xf32>,
        %swap3A_466 = arith.index_cast %add3A_405 : i32 to index
        %swap3A_467 = arith.constant 112 : index
        %swap3A_468 = tpu.vector_load %arg9[%swap3A_466, %swap3A_467] {strides = array<i32>} : memref<288x256xf32, #tpu.memory_space<vmem>>, vector<16xf32>,
        tpu.vector_store %arg9[%swap3A_466, %swap3A_467], %get3A_17 {strides = array<i32>} : memref<288x256xf32, #tpu.memory_space<vmem>>, vector<16xf32>,
        %swap3A_469 = arith.index_cast %add3A_405 : i32 to index
        %swap3A_470 = arith.constant 128 : index
        %swap3A_471 = tpu.vector_load %arg9[%swap3A_469, %swap3A_470] {strides = array<i32>} : memref<288x256xf32, #tpu.memory_space<vmem>>, vector<16xf32>,
        tpu.vector_store %arg9[%swap3A_469, %swap3A_470], %get3A_23 {strides = array<i32>} : memref<288x256xf32, #tpu.memory_space<vmem>>, vector<16xf32>,
        %swap3A_472 = arith.index_cast %add3A_405 : i32 to index
        %swap3A_473 = arith.constant 144 : index
        %swap3A_474 = tpu.vector_load %arg9[%swap3A_472, %swap3A_473] {strides = array<i32>} : memref<288x256xf32, #tpu.memory_space<vmem>>, vector<16xf32>,
        tpu.vector_store %arg9[%swap3A_472, %swap3A_473], %get3A_29 {strides = array<i32>} : memref<288x256xf32, #tpu.memory_space<vmem>>, vector<16xf32>,
        %swap3A_475 = arith.index_cast %add3A_405 : i32 to index
        %swap3A_476 = arith.constant 156 : index
        %swap3A_477 = tpu.vector_load %arg9[%swap3A_475, %swap3A_476] {strides = array<i32>} : memref<288x256xf32, #tpu.memory_space<vmem>>, vector<16xf32>,
        tpu.vector_store %arg9[%swap3A_475, %swap3A_476], %get3A_35 {strides = array<i32>} : memref<288x256xf32, #tpu.memory_space<vmem>>, vector<16xf32>,
        %swap3A_478 = arith.index_cast %add3A_405 : i32 to index
        %swap3A_479 = arith.constant 172 : index
        %swap3A_480 = tpu.vector_load %arg9[%swap3A_478, %swap3A_479] {strides = array<i32>} : memref<288x256xf32, #tpu.memory_space<vmem>>, vector<16xf32>,
        tpu.vector_store %arg9[%swap3A_478, %swap3A_479], %get3A_65 {strides = array<i32>} : memref<288x256xf32, #tpu.memory_space<vmem>>, vector<16xf32>,
        %swap3A_481 = arith.index_cast %add3A_405 : i32 to index
        %swap3A_482 = arith.constant 188 : index
        %swap3A_483 = tpu.vector_load %arg9[%swap3A_481, %swap3A_482] {strides = array<i32>} : memref<288x256xf32, #tpu.memory_space<vmem>>, vector<16xf32>,
        tpu.vector_store %arg9[%swap3A_481, %swap3A_482], %get3A_73 {strides = array<i32>} : memref<288x256xf32, #tpu.memory_space<vmem>>, vector<16xf32>,
        %swap3A_484 = arith.index_cast %add3A_405 : i32 to index
        %swap3A_485 = arith.constant 204 : index
        %swap3A_486 = tpu.vector_load %arg9[%swap3A_484, %swap3A_485] {strides = array<i32>} : memref<288x256xf32, #tpu.memory_space<vmem>>, vector<16xf32>,
        tpu.vector_store %arg9[%swap3A_484, %swap3A_485], %get3A_81 {strides = array<i32>} : memref<288x256xf32, #tpu.memory_space<vmem>>, vector<16xf32>,
        %swap3A_487 = arith.index_cast %add3A_405 : i32 to index
        %swap3A_488 = arith.constant 220 : index
        %swap3A_489 = tpu.vector_load %arg9[%swap3A_487, %swap3A_488] {strides = array<i32>} : memref<288x256xf32, #tpu.memory_space<vmem>>, vector<16xf32>,
        tpu.vector_store %arg9[%swap3A_487, %swap3A_488], %get3A_89 {strides = array<i32>} : memref<288x256xf32, #tpu.memory_space<vmem>>, vector<16xf32>,
        %swap3A_490 = arith.index_cast %add3A_405 : i32 to index
        %swap3A_491 = arith.constant 236 : index
        %swap3A_492 = tpu.vector_load %arg9[%swap3A_490, %swap3A_491] {strides = array<i32>} : memref<288x256xf32, #tpu.memory_space<vmem>>, vector<16xf32>,
        tpu.vector_store %arg9[%swap3A_490, %swap3A_491], %get3A_97 {strides = array<i32>} : memref<288x256xf32, #tpu.memory_space<vmem>>, vector<16xf32>,
        %swap3A_493 = arith.index_cast %add3A_405 : i32 to index
        %swap3A_494 = arith.constant 240 : index
        %swap3A_495 = tpu.vector_load %arg9[%swap3A_493, %swap3A_494] {strides = array<i32>} : memref<288x256xf32, #tpu.memory_space<vmem>>, vector<16xf32>,
        tpu.vector_store %arg9[%swap3A_493, %swap3A_494], %get3A_105 {strides = array<i32>} : memref<288x256xf32, #tpu.memory_space<vmem>>, vector<16xf32>,
        %scan3A_496 = arith.constant 0 : i32
        scf.yield %scan3A_496 : i32
      }
      %scan3A_112 = arith.constant 32 : i32
      %scan3A_113 = arith.constant 0 : i32
      scf.yield %scan3A_113 : i32
    }
    %scan3A_41 = arith.constant 9 : i32
    %scan3A_42 = arith.constant 0 : i32
    %scan3A_43 = arith.constant 0 : i32
    %scan3A_44 = arith.constant 9 : i32
    %scan3A_45 = arith.addi %scan3A_43, %scan3A_44 : i32
    %scan3A_46 = arith.constant 1 : i32
    %scan3A_47 = scf.for %scan3A_56 = %scan3A_43 to %scan3A_45 step %scan3A_46 iter_args(%scan3A_57 = %scan3A_42) -> (i32)  : i32 {
      %mul3A_58 = arith.constant 32 : i32
      %mul3A_59 = arith.muli %scan3A_56, %mul3A_58 : i32
      %dma_start3A = arith.constant 0 : i32
      %dma_start3A_60 = tpu.memref_slice %arg9[%mul3A_59, %dma_start3A] : memref<288x256xf32, #tpu.memory_space<vmem>> -> memref<32x256xf32, #tpu.memory_space<vmem>>
      %dma_start3A_61 = arith.constant 0 : i32
      %dma_start3A_62 = arith.constant 0 : i32
      %dma_start3A_63 = tpu.memref_slice %arg5[%scan3A_56, %add3A, %dma_start3A_61, %dma_start3A_62] : memref<9x32x32x256xf32, #tpu.memory_space<hbm>> -> memref<1x1x32x256xf32, #tpu.memory_space<hbm>>
      %dma_start3A_64 = tpu.memref_squeeze %dma_start3A_63 : memref<1x1x32x256xf32, #tpu.memory_space<hbm>> -> memref<32x256xf32, #tpu.memory_space<hbm>>
      %dma_start3A_65 = arith.constant 0 : i32
      %dma_start3A_66 = arith.constant 0 : i32
      %dma_start3A_67 = tpu.memref_slice %arg5[%scan3A_56, %add3A, %dma_start3A_65, %dma_start3A_66] : memref<9x32x32x256xf32, #tpu.memory_space<hbm>> -> memref<1x1x32x256xf32, #tpu.memory_space<hbm>>
      %dma_start3A_68 = tpu.memref_squeeze %dma_start3A_67 : memref<1x1x32x256xf32, #tpu.memory_space<hbm>> -> memref<32x256xf32, #tpu.memory_space<hbm>>
      %dma_start3A_69 = arith.constant 0 : i32
      %dma_start3A_70 = tpu.memref_slice %arg9[%mul3A_59, %dma_start3A_69] : memref<288x256xf32, #tpu.memory_space<vmem>> -> memref<32x256xf32, #tpu.memory_space<vmem>>
      tpu.enqueue_dma source(%dma_start3A_70 : memref<32x256xf32, #tpu.memory_space<vmem>>) target(%dma_start3A_68 : memref<32x256xf32, #tpu.memory_space<hbm>>) target_semaphore(%arg10 : memref<!tpu.dma_semaphore, #tpu.memory_space<semaphore_mem>>)
      %scan3A_71 = arith.constant 0 : i32
      scf.yield %scan3A_71 : i32
    }
    %scan3A_48 = arith.constant 9 : i32
    %scan3A_49 = arith.constant 0 : i32
    %scan3A_50 = arith.constant 0 : i32
    %scan3A_51 = arith.constant 9 : i32
    %scan3A_52 = arith.addi %scan3A_50, %scan3A_51 : i32
    %scan3A_53 = arith.constant 1 : i32
    %scan3A_54 = scf.for %scan3A_56 = %scan3A_50 to %scan3A_52 step %scan3A_53 iter_args(%scan3A_57 = %scan3A_49) -> (i32)  : i32 {
      %dma_wait3A = arith.constant 0 : i32
      %dma_wait3A_58 = arith.constant 0 : i32
      %dma_wait3A_59 = arith.constant 0 : i32
      %dma_wait3A_60 = tpu.memref_slice %arg9[%dma_wait3A_58, %dma_wait3A_59] : memref<288x256xf32, #tpu.memory_space<vmem>> -> memref<32x256xf32, #tpu.memory_space<vmem>>
      %dma_wait3A_61 = arith.constant 0 : i32
      %dma_wait3A_62 = arith.constant 0 : i32
      %dma_wait3A_63 = tpu.memref_slice %arg5[%dma_wait3A, %add3A, %dma_wait3A_61, %dma_wait3A_62] : memref<9x32x32x256xf32, #tpu.memory_space<hbm>> -> memref<1x1x32x256xf32, #tpu.memory_space<hbm>>
      %dma_wait3A_64 = tpu.memref_squeeze %dma_wait3A_63 : memref<1x1x32x256xf32, #tpu.memory_space<hbm>> -> memref<32x256xf32, #tpu.memory_space<hbm>>
      %dma_wait3A_65 = arith.constant 0 : i32
      %dma_wait3A_66 = arith.constant 0 : i32
      %dma_wait3A_67 = tpu.memref_slice %arg5[%dma_wait3A, %add3A, %dma_wait3A_65, %dma_wait3A_66] : memref<9x32x32x256xf32, #tpu.memory_space<hbm>> -> memref<1x1x32x256xf32, #tpu.memory_space<hbm>>
      %dma_wait3A_68 = tpu.memref_squeeze %dma_wait3A_67 : memref<1x1x32x256xf32, #tpu.memory_space<hbm>> -> memref<32x256xf32, #tpu.memory_space<hbm>>
      %dma_wait3A_69 = arith.constant 0 : i32
      %dma_wait3A_70 = arith.constant 0 : i32
      %dma_wait3A_71 = tpu.memref_slice %arg9[%dma_wait3A_69, %dma_wait3A_70] : memref<288x256xf32, #tpu.memory_space<vmem>> -> memref<32x256xf32, #tpu.memory_space<vmem>>
      tpu.wait_dma2 semaphore(%arg10 : memref<!tpu.dma_semaphore, #tpu.memory_space<semaphore_mem>>) src(%dma_wait3A_71 : memref<32x256xf32, #tpu.memory_space<vmem>>) dst(%dma_wait3A_68 : memref<32x256xf32, #tpu.memory_space<hbm>>)
      %scan3A_72 = arith.constant 0 : i32
      scf.yield %scan3A_72 : i32
    }
    %scan3A_55 = arith.constant 9 : i32
    return
  }
}

module attributes {stable_mosaic.version = 14 : i64} {
  func.func @body(%arg0: memref<9x32x32x256xf32, #tpu.memory_space<any>>, %arg1: memref<16x9x32x32x256xf32, #tpu.memory_space<any>>, %arg2: memref<9x32x32x256xf32, #tpu.memory_space<vmem>>, %arg3: memref<!tpu.dma_semaphore, #tpu.memory_space<semaphore_mem>>, %arg4: memref<!tpu.dma_semaphore, #tpu.memory_space<semaphore_mem>>) attributes {dimension_semantics = [], scalar_prefetch = 0 : i64, scratch_operands = 3 : i64, tpu.core_type = #tpu.core_type<tc>} {
    tpu.enqueue_dma source(%arg0 : memref<9x32x32x256xf32, #tpu.memory_space<any>>) target(%arg2 : memref<9x32x32x256xf32, #tpu.memory_space<vmem>>) target_semaphore(%arg3 : memref<!tpu.dma_semaphore, #tpu.memory_space<semaphore_mem>>)
    tpu.wait_dma2 semaphore(%arg3 : memref<!tpu.dma_semaphore, #tpu.memory_space<semaphore_mem>>) src(%arg0 : memref<9x32x32x256xf32, #tpu.memory_space<any>>) dst(%arg2 : memref<9x32x32x256xf32, #tpu.memory_space<vmem>>)
    %scan3A = arith.constant 0 : i32
    %scan3A_0 = arith.constant 16 : i32
    %scan3A_1 = arith.addi %scan3A, %scan3A_0 : i32
    %scan3A_2 = arith.constant 4 : i32
    scf.for %scan3A_8 = %scan3A to %scan3A_1 step %scan3A_2  : i32 {
      %dma_start3A = arith.constant 0 : i32
      %dma_start3A_9 = arith.constant 0 : i32
      %dma_start3A_10 = arith.constant 0 : i32
      %dma_start3A_11 = arith.constant 0 : i32
      %dma_start3A_12 = tpu.memref_slice %arg1[%scan3A_8, %dma_start3A, %dma_start3A_9, %dma_start3A_10, %dma_start3A_11] : memref<16x9x32x32x256xf32, #tpu.memory_space<any>> -> memref<1x9x32x32x256xf32, #tpu.memory_space<any>>
      %dma_start3A_13 = tpu.memref_squeeze %dma_start3A_12 : memref<1x9x32x32x256xf32, #tpu.memory_space<any>> -> memref<9x32x32x256xf32, #tpu.memory_space<any>>
      tpu.enqueue_dma source(%arg2 : memref<9x32x32x256xf32, #tpu.memory_space<vmem>>) target(%dma_start3A_13 : memref<9x32x32x256xf32, #tpu.memory_space<any>>) target_semaphore(%arg4 : memref<!tpu.dma_semaphore, #tpu.memory_space<semaphore_mem>>)
      %scan3A_14 = arith.constant 1 : i32
      %scan3A_15 = arith.addi %scan3A_8, %scan3A_14 : i32
      %dma_start3A_16 = arith.constant 0 : i32
      %dma_start3A_17 = arith.constant 0 : i32
      %dma_start3A_18 = arith.constant 0 : i32
      %dma_start3A_19 = arith.constant 0 : i32
      %dma_start3A_20 = tpu.memref_slice %arg1[%scan3A_15, %dma_start3A_16, %dma_start3A_17, %dma_start3A_18, %dma_start3A_19] : memref<16x9x32x32x256xf32, #tpu.memory_space<any>> -> memref<1x9x32x32x256xf32, #tpu.memory_space<any>>
      %dma_start3A_21 = tpu.memref_squeeze %dma_start3A_20 : memref<1x9x32x32x256xf32, #tpu.memory_space<any>> -> memref<9x32x32x256xf32, #tpu.memory_space<any>>
      tpu.enqueue_dma source(%arg2 : memref<9x32x32x256xf32, #tpu.memory_space<vmem>>) target(%dma_start3A_21 : memref<9x32x32x256xf32, #tpu.memory_space<any>>) target_semaphore(%arg4 : memref<!tpu.dma_semaphore, #tpu.memory_space<semaphore_mem>>)
      %scan3A_22 = arith.constant 2 : i32
      %scan3A_23 = arith.addi %scan3A_8, %scan3A_22 : i32
      %dma_start3A_24 = arith.constant 0 : i32
      %dma_start3A_25 = arith.constant 0 : i32
      %dma_start3A_26 = arith.constant 0 : i32
      %dma_start3A_27 = arith.constant 0 : i32
      %dma_start3A_28 = tpu.memref_slice %arg1[%scan3A_23, %dma_start3A_24, %dma_start3A_25, %dma_start3A_26, %dma_start3A_27] : memref<16x9x32x32x256xf32, #tpu.memory_space<any>> -> memref<1x9x32x32x256xf32, #tpu.memory_space<any>>
      %dma_start3A_29 = tpu.memref_squeeze %dma_start3A_28 : memref<1x9x32x32x256xf32, #tpu.memory_space<any>> -> memref<9x32x32x256xf32, #tpu.memory_space<any>>
      tpu.enqueue_dma source(%arg2 : memref<9x32x32x256xf32, #tpu.memory_space<vmem>>) target(%dma_start3A_29 : memref<9x32x32x256xf32, #tpu.memory_space<any>>) target_semaphore(%arg4 : memref<!tpu.dma_semaphore, #tpu.memory_space<semaphore_mem>>)
      %scan3A_30 = arith.constant 3 : i32
      %scan3A_31 = arith.addi %scan3A_8, %scan3A_30 : i32
      %dma_start3A_32 = arith.constant 0 : i32
      %dma_start3A_33 = arith.constant 0 : i32
      %dma_start3A_34 = arith.constant 0 : i32
      %dma_start3A_35 = arith.constant 0 : i32
      %dma_start3A_36 = tpu.memref_slice %arg1[%scan3A_31, %dma_start3A_32, %dma_start3A_33, %dma_start3A_34, %dma_start3A_35] : memref<16x9x32x32x256xf32, #tpu.memory_space<any>> -> memref<1x9x32x32x256xf32, #tpu.memory_space<any>>
      %dma_start3A_37 = tpu.memref_squeeze %dma_start3A_36 : memref<1x9x32x32x256xf32, #tpu.memory_space<any>> -> memref<9x32x32x256xf32, #tpu.memory_space<any>>
      tpu.enqueue_dma source(%arg2 : memref<9x32x32x256xf32, #tpu.memory_space<vmem>>) target(%dma_start3A_37 : memref<9x32x32x256xf32, #tpu.memory_space<any>>) target_semaphore(%arg4 : memref<!tpu.dma_semaphore, #tpu.memory_space<semaphore_mem>>)
    }
    %scan3A_3 = arith.constant 16 : i32
    %scan3A_4 = arith.constant 0 : i32
    %scan3A_5 = arith.constant 16 : i32
    %scan3A_6 = arith.addi %scan3A_4, %scan3A_5 : i32
    %scan3A_7 = arith.constant 1 : i32
    scf.for %scan3A_8 = %scan3A_4 to %scan3A_6 step %scan3A_7  : i32 {
      %dma_wait3A = arith.constant 0 : i32
      %dma_wait3A_9 = arith.constant 0 : i32
      %dma_wait3A_10 = arith.constant 0 : i32
      %dma_wait3A_11 = arith.constant 0 : i32
      %dma_wait3A_12 = arith.constant 0 : i32
      %dma_wait3A_13 = tpu.memref_slice %arg1[%dma_wait3A, %dma_wait3A_9, %dma_wait3A_10, %dma_wait3A_11, %dma_wait3A_12] : memref<16x9x32x32x256xf32, #tpu.memory_space<any>> -> memref<1x9x32x32x256xf32, #tpu.memory_space<any>>
      %dma_wait3A_14 = tpu.memref_squeeze %dma_wait3A_13 : memref<1x9x32x32x256xf32, #tpu.memory_space<any>> -> memref<9x32x32x256xf32, #tpu.memory_space<any>>
      tpu.wait_dma2 semaphore(%arg4 : memref<!tpu.dma_semaphore, #tpu.memory_space<semaphore_mem>>) src(%arg2 : memref<9x32x32x256xf32, #tpu.memory_space<vmem>>) dst(%dma_wait3A_14 : memref<9x32x32x256xf32, #tpu.memory_space<any>>)
    }
    return
  }
}

</mosaic_0001>

<sc_bundles>
// kernel: _pos_embed.4.cloned.1.call-start
scs
__scs_entry_jumppad:
0x0: {  	(pc) =	sbr.rel $0x88, $3  }
0x1: {  	(tag) =	ssettag $0x0;
	lr =	simm.s32 $0x1  }
0x2: {  	[smem:$0x3F9E] =	sst lr;
	_ =	strace $0xD0000000  }
0x3: {  	_ = 	snop  }
0x4: {  	_ = 	snop  }
0x5: {  	_ = 	snop  }
0x6: {  	_ = 	snop  }
0x7: {  	_ = 	snop  }
__scs_overlays_trampoline_lowered:
0x8: {  	[smem:$0x3FAD] =	sst s0  }
0x9: {  	[smem:$0x3FAE] =	sst s1  }
0xa: {  	[smem:$0x3FAF] =	sst s2  }
0xb: {  	[smem:$0x3FB0] =	sst s3  }
0xc: {  	[smem:$0x3FB1] =	sst s4  }
0xd: {  	[smem:$0x3FB2] =	sst s5  }
0xe: {  	[smem:$0x3FB3] =	sst s6  }
0xf: {  	[smem:$0x3FB4] =	sst s7  }
0x10: {  	[smem:$0x3FB5] =	sst s8  }
0x11: {  	[smem:$0x3FB6] =	sst s9;
	s0 =	simm.s32 @!p0 $0x0  }
0x12: {  	s1 =	sld [smem:$0x3F9C];
	s0 =	simm.s32 @p0 $0x1  }
0x13: {  	[smem:$0x3FB7] =	sst s0;
	s0 =	simm.s32 @!p1 $0x0  }
0x14: {  	s2 =	sld [smem:$0x3F9B];
	s0 =	simm.s32 @p1 $0x1  }
0x15: {  	[smem:$0x3FB8] =	sst s0;
	s0 =	simm.s32 @!p2 $0x0  }
0x16: {  	s3 =	sld [smem:$0x3FDB];
	s0 =	simm.s32 @p2 $0x1  }
0x17: {  	s4 =	simm.s32 $0x1BF5;
	[smem:$0x3FBA] =	sst s0  }
0x18: {  	s0 =	sld [smem:$0x3F9D];
	_ =	swait.ge [sflag:s4], $0x0  }
0x19: {  	s7 =	sld [smem:$0x3F9E]  }
0x1a: {  	s8 =	sadd.s32 $0xFFFFE003, lr  }
0x1b: {  	s9 =	sadd.s32 $0xFFFFFEF7, lr;
	s5 =	simm.s32 $0xFFFFFFFF;
	p2 =	slt.u32 s8, $0xFFFFF086  }
0x1c: {  	p1 =	slt.u32 s9, $0xF7A;
	s5 =	simm.s32 @!p2 $0x0  }
0x1d: {  	s5 =	simm.s32 @p1 $0x1;
	p0 =	seq.s32 s7, s2  }
0x1e: {  	s7 =	smul.u32 @!p0 $0xF7A, s2;
	p2 =	seq.s32 @!p0 s5, $0x0  }
0x1f: {  	s9 =	smul.u32 $0xF7A, s1;
	s8 =	simm.s32 @!p0 $0x1BF5;
	p2 =	por !p2, p0  }
0x20: {  	[sflag:s8] =	ssyncset.s32 @!p0 $0xFFFFF086;
	s6 =	sadd.s32 @!p0 s3, s7;
	s7 =	simm.s32 @!p0 $0x108  }
0x21: {  	s3 =	sadd.s32 s3, s9;
	s6 =	sadd.s32 @!p0 $0x88, s6;
	s7 =	simm.s32 @p2 $0x1082  }
0x22: {  	[simem:s7], [sflag:s8] =	dma.local @!p0 [hbm:s6], $0xF7A  }
0x23: {  	s9 =	sor.u32 $0xD0000000, s2;
	s6 =	simm.s32 $0x108;
	_ =	swait.ge @!p0 [sflag:s8], $0x0  }
0x24: {  	s3 =	sadd.s32 $0x88, s3;
	s6 =	simm.s32 @!p1 $0x1082;
	[sflag:s4] =	ssyncset.s32 $0xFFFFF086  }
0x25: {  	[simem:s6], [sflag:s4] =	dma.local [hbm:s3], $0xF7A  }
0x26: {  	[smem:$0x3F9E] =	sst s1;
	(tag) =	ssettag s2;
	_ =	strace s9  }
0x27: {  	s1 =	sld [smem:$0x3FAE]  }
0x28: {  	s2 =	sld [smem:$0x3FAF]  }
0x29: {  	s4 =	sld [smem:$0x3FB1]  }
0x2a: {  	p0 =	seq.s32 s5, $0x0;
	s5 =	sld [smem:$0x3FB2]  }
0x2b: {  	s6 =	sld [smem:$0x3FB3]  }
0x2c: {  	s7 =	sld [smem:$0x3FB4]  }
0x2d: {  	s3 =	simm.s32 $0x108;
	s8 =	sld [smem:$0x3FB5]  }
0x2e: {  	s3 =	simm.s32 @!p0 $0x1082;
	s9 =	sld [smem:$0x3FB6]  }
0x2f: {  	lr =	sadd.s32 s0, s3;
	s0 =	sld [smem:$0x3FAD]  }
0x30: {  	s3 =	sld [smem:$0x3FB0]  }
0x31: {  	[smem:$0x3FB9] =	sst s10  }
0x32: {  	s10 =	sld [smem:$0x3FB7];
	_ =	sdelay $0x3  }
0x33: {  	p0 =	seq.s32 s10, $0x1;
	s10 =	sld [smem:$0x3FB9];
	_ =	sdelay $0x3  }
0x34: {  	[smem:$0x3FB9] =	sst s10  }
0x35: {  	s10 =	sld [smem:$0x3FB8];
	_ =	sdelay $0x3  }
0x36: {  	p1 =	seq.s32 s10, $0x1;
	s10 =	sld [smem:$0x3FB9];
	_ =	sdelay $0x3  }
0x37: {  	[smem:$0x3FB9] =	sst s10  }
0x38: {  	s10 =	sld [smem:$0x3FBA]  }
0x39: {  	_ = 	snop;
	(pc) =	sbr.ind lr, $3  }
0x3a: {  	_ = 	snop  }
0x3b: {  	_ = 	snop  }
0x3c: {  	p2 =	seq.s32 s10, $0x1;
	s10 =	sld [smem:$0x3FB9]  }
0x3d: {  	_ =	shalt  }
0x3e: {  	_ =	shalt  }
0x3f: {  	_ =	shalt  }
0x40: {  	_ =	shalt  }
0x41: {  	_ =	shalt  }
0x42: {  	_ =	shalt  }
0x43: {  	_ =	shalt  }
0x44: {  	_ =	shalt  }
0x45: {  	_ =	shalt  }
0x46: {  	_ =	shalt  }
0x47: {  	_ =	shalt  }
0x48: {  	_ =	shalt  }
0x49: {  	_ =	shalt  }
0x4a: {  	_ =	shalt  }
0x4b: {  	_ =	shalt  }
0x4c: {  	_ =	shalt  }
0x4d: {  	_ =	shalt  }
0x4e: {  	_ =	shalt  }
0x4f: {  	_ =	shalt  }
0x50: {  	_ =	shalt  }
0x51: {  	_ =	shalt  }
0x52: {  	_ =	shalt  }
0x53: {  	_ =	shalt  }
0x54: {  	_ =	shalt  }
0x55: {  	_ =	shalt  }
0x56: {  	_ =	shalt  }
0x57: {  	_ =	shalt  }
0x58: {  	_ =	shalt  }
0x59: {  	_ =	shalt  }
0x5a: {  	_ =	shalt  }
0x5b: {  	_ =	shalt  }
0x5c: {  	_ =	shalt  }
0x5d: {  	_ =	shalt  }
0x5e: {  	_ =	shalt  }
0x5f: {  	_ =	shalt  }
0x60: {  	_ =	shalt  }
0x61: {  	_ =	shalt  }
0x62: {  	_ =	shalt  }
0x63: {  	_ =	shalt  }
0x64: {  	_ =	shalt  }
0x65: {  	_ =	shalt  }
0x66: {  	_ =	shalt  }
0x67: {  	_ =	shalt  }
0x68: {  	_ =	shalt  }
0x69: {  	_ =	shalt  }
0x6a: {  	_ =	shalt  }
0x6b: {  	_ =	shalt  }
0x6c: {  	_ =	shalt  }
0x6d: {  	_ =	shalt  }
0x6e: {  	_ =	shalt  }
0x6f: {  	_ =	shalt  }
0x70: {  	_ =	shalt  }
0x71: {  	_ =	shalt  }
0x72: {  	_ =	shalt  }
0x73: {  	_ =	shalt  }
0x74: {  	_ =	shalt  }
0x75: {  	_ =	shalt  }
0x76: {  	_ =	shalt  }
0x77: {  	_ =	shalt  }
0x78: {  	_ =	shalt  }
0x79: {  	_ =	shalt  }
0x7a: {  	_ =	shalt  }
0x7b: {  	_ =	shalt  }
0x7c: {  	_ =	shalt  }
0x7d: {  	_ =	shalt  }
0x7e: {  	_ =	shalt  }
0x7f: {  	_ =	shalt  }
0x80: {  	_ =	shalt  }
0x81: {  	_ =	shalt  }
0x82: {  	_ =	shalt  }
0x83: {  	_ =	shalt  }
0x84: {  	_ =	shalt  }
0x85: {  	_ =	shalt  }
0x86: {  	_ =	shalt  }
0x87: {  	_ =	shalt  }
.Lfunc_end0:
.L_simem_size_0:
called_computation_lowered:
.L_overlay_start_0:
0x88: {  	s2 =	sld [smem:$0x3FD9]  }
0x89: {  	s3 =	sld [smem:$0x3FFE];
	_ =	sdelay $0x1  }
0x8a: {  	s1 =	srdreg.scid  }
0x8b: {  	s0 =	sand.u32 $0x1, s1  }
0x8c: {  	s17 =	sshll.u32 s0, $0xA;
	s2 =	sadd.s32 s3, s2  }
0x8d: {  	s2 =	sadd.s32 s2, s17  }
0x8e: {  	[smem:$0x3FC5] =	sst s2  }
0x8f: {  	_ = 	snop  }
0x90: {  	s2 =	sld [smem:$0x3FD0];
	(tm) =	ssettm $0x1  }
0x91: {  	s18 =	sld [smem:$0x3FFB];
	_ =	sdelay $0x3  }
0x92: {  	_ =	strace s18  }
0x93: {  	s3 =	sld [smem:$0x3FFC];
	_ =	sdelay $0x3  }
0x94: {  	_ =	strace s3  }
0x95: {  	s3 =	sld [smem:$0x3FFD];
	_ =	sdelay $0x3  }
0x96: {  	_ =	strace s3  }
0x97: {  	_ =	strace $0x8FFFFFFF  }
0x98: {  	s19 =	sld [smem:$0x3FDB];
	_ =	sdelay $0x1  }
0x99: {  	s4 =	simm.s32 $_scs_section_size  }
0x9a: {  	s5 =	simm.s32 $_size__tile_overlayer_lowered;
	s6 =	simm.s32 $_tile_overlayer_lowered  }
0x9b: {  	s22 =	simm.s32 $0x1BFF;
	s21 =	sshll.u32 s6, $0x1;
	s3 =	sadd.s32 s4, s19  }
0x9c: {  	s7 =	simm.s32 $0x0;
	s20 =	sshll.u32 s5, $0x1;
	s5 =	sadd.s32 s21, s3  }
0x9d: {  	[timem:s7], [sflag:s22] =	dma.local [hbm:s5], s20  }
0x9e: {  	_ =	swait.ge [sflag:s22], s20  }
0x9f: {  	s4 =	ssub.s32 $0x0, s20;
	[sflag:s22] =	ssyncset.done $0x0  }
0xa0: {  	[sflag:s22] =	ssyncadd.s32 s4;
	_ =	sdelay $0x1  }
0xa1: {  	s23 =	simm.s32 $0x1B8B  }
0xa2: {  	_ =	swait.ge [sflag:s23], $0x1  }
0xa3: {  	[sflag:s23] =	ssyncset.done $0x0  }
0xa4: {  	s25 =	simm.s32 $0x1B8E;
	s24 =	sld [smem:$0x3FFE];
	[sflag:s23] =	ssyncadd.s32 $0xFFFFFFFF  }
0xa5: {  	s26 =	simm.s32 $execute0_lowered;
	[smem:$0x3FD2] =	sst s25  }
0xa6: {  	s5 =	sshll.u32 s26, $0x1;
	_ =	strace $0x80000046;
	[dreg:$0x1] =	wrdreg $0xFFFFFFFF  }
0xa7: {  	s28 =	simm.s32 $_size_execute0_lowered;
	s3 =	sadd.s32 s3, s5;
	[dreg:$0x0] =	wrdreg $0x0  }
0xa8: {  	s5 =	sshll.u32 s28, $0x1;
	[dreg:$0x2] =	wrdreg s3  }
0xa9: {  	[dreg:$0x3] =	wrdreg s5  }
0xaa: {  	[dreg:$0x4] =	wrdreg $0xC0  }
0xab: {  	_ =	task [dreg:s7], $0x5FFFF  }
0xac: {  	[dreg:$0x1] =	wrdreg $0xFFFFFFFF  }
0xad: {  	[dreg:$0x0] =	wrdreg $0x60  }
0xae: {  	[dreg:$0x2] =	wrdreg s24  }
0xaf: {  	[dreg:$0x3] =	wrdreg s2  }
0xb0: {  	[dreg:$0x4] =	wrdreg $0x9  }
0xb1: {  	_ =	task.clear_ibuf [dreg:s7], $0x5FFFF;
	_ =	strace $0x90000046  }
0xb2: {  	s29 =	simm.s32 $0x9;
	_ =	strace $0x80000048  }
0xb3: {  	_ =	swait.ge [sflag:s29], $0x1  }
0xb4: {  	[sflag:s29] =	ssyncadd.s32 $0xFFFFFFFF  }
0xb5: {  	_ =	strace $0x90000048  }
0xb6: {  	_ =	sfence  }
0xb7: {  	s30 =	sld [smem:$0x0];
	_ =	sdelay $0x2  }
0xb8: {  	s31 =	sshll.u32 s1, $0xD;
	s1 =	sshrl.u32 s1, $0x2  }
0xb9: {  	s3 =	sand.u32 $0x4000, s31;
	s1 =	sadd.s32 s1, s30  }
0xba: {  	s0 =	sor.u32 s3, s0;
	s1 =	sshll.u32 s1, $0x11  }
0xbb: {  	s0 =	sor.u32 s1, s0  }
0xbc: {  	s0 =	sadd.s32 $0x8F2B, s0  }
0xbd: {  	[sflag:s0] =	ssyncadd.remote.s32 $0x1  }
0xbe: {  	_ =	sfence.sel $0xFFFF  }
0xbf: {  	[dreg:$0x0] =	wrdreg $0xFFFFFFFF;
	(pc) =	sbr.abs _section_cstart, $3  }
0xc0: {  	[dreg:$0x1] =	wrdreg $0xFFFFFFFF  }
0xc1: {  	_ =	task.clear_ibuf [dreg:s7], $0x2FFFF;
	_ =	strace $0x9FFFFFFF  }
0xc2: {  	(tm) =	ssettm $0x7FFFFFFF  }
0xc3: {  	_ =	shalt  }
tec
execute0_lowered:
.L_overlay_start_1:
0x0: {  	(tag) =	ssettag $0x1  }
0x1: {  	s0 =	rddreg [dreg:$0x0]  }
0x2: {  	s1 =	rddreg [dreg:$0x1];
	s2 =	simm.s32 $0x0;
	s3 =	srdreg.scid  }
0x3: {  	s5 =	stileid.u32;
	s19 =	simm.s32 $0x1;
	s26 =	simm.s32 $0xD980  }
0x4: {  	s28 =	simm.s32 $0xF980;
	s29 =	simm.s32 $0x11980;
	s30 =	simm.s32 $0x0  }
0x5: {  	[smem:$0x7FF] =	sst s2;
	s4 =	sand.u32 $0x1, s3;
	s5 =	sshll.u32 s5, $0x1  }
0x6: {  	s3 =	sadd.s32 $0x800, s0;
	_ =	strace $0x80000047;
	s7 =	sor.u32 s4, s5  }
0x7: {  	s6 =	ssub.s32 $0x2, s4;
	s4 =	sadd.s32 $0xA00, s0;
	s9 =	smul.u32 $0x158, s7  }
0x8: {  	s5 =	sadd.s32 $0x600, s0;
	s8 =	sshrl.u32 s6, $0x1;
	s7 =	sshll.u32 s7, $0xA  }
0x9: {  	s31 =	ssub.s32 s6, s8;
	s7 =	sadd.s32 s1, s7;
	s6 =	sshrl.u32 s9, $0x2  }
0xa: {  	s8 =	smax.u32 s31, $0x1;
	s9 =	sadd.s32 $0x8000, s7;
	s10 =	sadd.s32 $0x10000, s7  }
0xb: {  	s11 =	sadd.s32 $0x18000, s7;
	s12 =	sadd.s32 $0x20000, s7;
	s13 =	sadd.s32 $0x28000, s7  }
0xc: {  	s14 =	sadd.s32 $0x30000, s7;
	s15 =	sadd.s32 $0x38000, s7;
	s16 =	sadd.s32 $0x40000, s7  }
.LBB2_1:
0xd: {  	[tilespmem:s2], [sflag:$0x1] =	stream.linear.gather [hbm4b:s3+s2], $0xB00, $0x38;
	[tilespmem:$0x13980] =	vst v63  }
0xe: {  	s0 =	simm.s32 $0xB00  }
0xf: {  	[tilespmem:s0], [sflag:$0x1] =	stream.linear.gather [hbm4b:s4+s2], $0xB00, $0x38;
	[tilespmem:$0x13980] =	vst v63  }
0x10: {  	s31 =	simm.s32 $0x1600  }
0x11: {  	[tilespmem:s31], [sflag:$0x1] =	stream.linear.gather [hbm4b:s5+s2], $0x380, $0x38;
	[tilespmem:$0x13980] =	vst v63  }
0x12: {  	_ =	swait.ge [sflag:s19], $0xB00  }
0x13: {  	[sflag:s19] =	ssyncset.done $0x0  }
0x14: {  	[sflag:s19] =	ssyncadd.s32 $0xFFFFF500  }
0x15: {  	_ =	swait.ge [sflag:s19], $0xB00  }
0x16: {  	[sflag:s19] =	ssyncset.done $0x0  }
0x17: {  	[sflag:s19] =	ssyncadd.s32 $0xFFFFF500  }
0x18: {  	_ =	swait.ge [sflag:s19], $0x380  }
0x19: {  	[sflag:s19] =	ssyncset.done $0x0  }
0x1a: {  	[sflag:s19] =	ssyncadd.s32 $0xFFFFFC80  }
0x1b: {  	v0 =	vld [tilespmem:s6+$0x0]  }
0x1c: {  	v1 =	vld [tilespmem:s6+$0x10]  }
0x1d: {  	v2 =	vld [tilespmem:s6+$0x1A]  }
0x1e: {  	v3 =	vld [tilespmem:s6+$0x2A]  }
0x1f: {  	v4 =	vld [tilespmem:s6+$0x3A]  }
0x20: {  	s21 =	simm.s32 $0x0;
	s0 =	simm.s32 $0x0;
	v5 =	vld [tilespmem:s6+$0x46]  }
.LBB2_2:
0x21: {  	s1 =	smul.u32 $0x158, s0;
	_ =	sdelay $0x1  }
0x22: {  	s18 =	sshra.s32 s1, $0x2  }
0x23: {  	s1 =	simm.s32 $0xBAC;
	v6 =	vld [tilespmem:s18+$0x1600]  }
0x24: {  	v12 =	vld [tilespmem:s1+$0xFFFFFF54]  }
0x25: {  	v7 =	vld [tilespmem:s18+$0x1610]  }
0x26: {  	s17 =	simm.s32 $0x0;
	s20 =	sand.u32 $0x1F800, s21;
	v9 =	vld [tilespmem:s18+$0x1620]  }
0x27: {  	s22 =	sand.u32 $0x200, s17;
	s17 =	sadd.s32 $0x1980, s20;
	v8 =	vld [tilespmem:s18+$0x1630]  }
0x28: {  	s24 =	sor.u32 s22, s17;
	v10 =	vld [tilespmem:s18+$0x1640]  }
0x29: {  	v11 =	vld [tilespmem:s18+$0x1644];
	[tilespmem:s24+$0x0] =	vst v12  }
0x2a: {  	v12 =	vld [tilespmem:s1+$0xFFFFFF64];
	_ =	sdelay $0x4  }
0x2b: {  	[tilespmem:s24+$0x10] =	vst v12  }
0x2c: {  	v12 =	vld [tilespmem:s1+$0xFFFFFF74];
	_ =	sdelay $0x4  }
0x2d: {  	[tilespmem:s24+$0x20] =	vst v12  }
0x2e: {  	v12 =	vld [tilespmem:s1+$0xFFFFFF84];
	_ =	sdelay $0x4  }
0x2f: {  	[tilespmem:s24+$0x30] =	vst v12  }
0x30: {  	v12 =	vld [tilespmem:s1+$0xFFFFFF94];
	_ =	sdelay $0x1  }
0x31: {  	p0 =	por $0x0, $0x0;
	s20 =	simm.s32 $0x1  }
0x32: {  	s20 =	simm.s32 @!p0 $0x0  }
0x33: {  	s20 =	sshll.u32 s20, $0x9  }
0x34: {  	s20 =	sadd.s32 s20, s21;
	[tilespmem:s24+$0x40] =	vst v12  }
0x35: {  	s25 =	sor.u32 $0x400, s20;
	v12 =	vld [tilespmem:s1+$0xFFFFFF9A]  }
0x36: {  	[tilespmem:s25+$0x1980] =	vst v3  }
0x37: {  	[tilespmem:s24+$0x56] =	vst v0  }
0x38: {  	[tilespmem:s24+$0x66] =	vst v1  }
0x39: {  	[tilespmem:s24+$0x70] =	vst v2  }
0x3a: {  	s23 =	sor.u32 $0x410, s20;
	[tilespmem:s24+$0x46] =	vst v12  }
0x3b: {  	s24 =	sor.u32 $0x41C, s20;
	[tilespmem:s23+$0x1980] =	vst v4  }
0x3c: {  	s25 =	sor.u32 $0x42C, s20;
	[tilespmem:s24+$0x1980] =	vst v5  }
0x3d: {  	s22 =	sor.u32 $0x43C, s20;
	[tilespmem:s25+$0x1980] =	vst v6  }
0x3e: {  	s23 =	sor.u32 $0x44C, s20;
	[tilespmem:s22+$0x1980] =	vst v7  }
0x3f: {  	s24 =	sor.u32 $0x45C, s20;
	[tilespmem:s23+$0x1980] =	vst v9  }
0x40: {  	s25 =	sor.u32 $0x46C, s20;
	[tilespmem:s24+$0x1980] =	vst v8  }
0x41: {  	s22 =	sor.u32 $0x470, s20;
	[tilespmem:s25+$0x1980] =	vst v10  }
0x42: {  	[tilespmem:s22+$0x1980] =	vst v11  }
0x43: {  	v12 =	vld [tilespmem:s1+$0xFFFFFFAA];
	_ =	sdelay $0x1  }
0x44: {  	s23 =	simm.s32 $0x80  }
0x45: {  	s18 =	sand.u32 $0x280, s23  }
0x46: {  	s18 =	sadd.s32 s18, s17  }
0x47: {  	[tilespmem:s18+$0x0] =	vst v12  }
0x48: {  	v12 =	vld [tilespmem:s1+$0xFFFFFFBA];
	_ =	sdelay $0x4  }
0x49: {  	[tilespmem:s18+$0x10] =	vst v12  }
0x4a: {  	v12 =	vld [tilespmem:s1+$0xFFFFFFCA];
	_ =	sdelay $0x4  }
0x4b: {  	[tilespmem:s18+$0x20] =	vst v12  }
0x4c: {  	v12 =	vld [tilespmem:s1+$0xFFFFFFDA];
	_ =	sdelay $0x4  }
0x4d: {  	[tilespmem:s18+$0x30] =	vst v12  }
0x4e: {  	v12 =	vld [tilespmem:s1+$0xFFFFFFEA];
	_ =	sdelay $0x4  }
0x4f: {  	[tilespmem:s18+$0x40] =	vst v12  }
0x50: {  	v12 =	vld [tilespmem:s1+$0xFFFFFFF0];
	[tilespmem:s18+$0x45C] =	vst v8  }
0x51: {  	[tilespmem:s18+$0x43C] =	vst v7  }
0x52: {  	[tilespmem:s18+$0x44C] =	vst v9  }
0x53: {  	[tilespmem:s18+$0x400] =	vst v3  }
0x54: {  	[tilespmem:s18+$0x42C] =	vst v6  }
0x55: {  	[tilespmem:s18+$0x56] =	vst v0  }
0x56: {  	[tilespmem:s18+$0x46C] =	vst v10  }
0x57: {  	[tilespmem:s18+$0x66] =	vst v1  }
0x58: {  	[tilespmem:s18+$0x410] =	vst v4  }
0x59: {  	[tilespmem:s18+$0x70] =	vst v2  }
0x5a: {  	[tilespmem:s18+$0x470] =	vst v11  }
0x5b: {  	[tilespmem:s18+$0x41C] =	vst v5  }
0x5c: {  	[tilespmem:s18+$0x46] =	vst v12  }
0x5d: {  	v12 =	vld [tilespmem:s1+$0x0];
	_ =	sdelay $0x1  }
0x5e: {  	s24 =	simm.s32 $0x100  }
0x5f: {  	s18 =	sand.u32 $0x300, s24  }
0x60: {  	s18 =	sadd.s32 s18, s17  }
0x61: {  	[tilespmem:s18+$0x0] =	vst v12  }
0x62: {  	v12 =	vld [tilespmem:s1+$0x10];
	_ =	sdelay $0x4  }
0x63: {  	[tilespmem:s18+$0x10] =	vst v12  }
0x64: {  	v12 =	vld [tilespmem:s1+$0x20];
	_ =	sdelay $0x4  }
0x65: {  	[tilespmem:s18+$0x20] =	vst v12  }
0x66: {  	v12 =	vld [tilespmem:s1+$0x30];
	_ =	sdelay $0x4  }
0x67: {  	[tilespmem:s18+$0x30] =	vst v12  }
0x68: {  	v12 =	vld [tilespmem:s1+$0x40];
	_ =	sdelay $0x4  }
0x69: {  	[tilespmem:s18+$0x40] =	vst v12  }
0x6a: {  	v12 =	vld [tilespmem:s1+$0x46];
	[tilespmem:s18+$0x43C] =	vst v7  }
0x6b: {  	[tilespmem:s18+$0x44C] =	vst v9  }
0x6c: {  	[tilespmem:s18+$0x42C] =	vst v6  }
0x6d: {  	[tilespmem:s18+$0x45C] =	vst v8  }
0x6e: {  	[tilespmem:s18+$0x400] =	vst v3  }
0x6f: {  	[tilespmem:s18+$0x46C] =	vst v10  }
0x70: {  	[tilespmem:s18+$0x66] =	vst v1  }
0x71: {  	[tilespmem:s18+$0x56] =	vst v0  }
0x72: {  	[tilespmem:s18+$0x410] =	vst v4  }
0x73: {  	[tilespmem:s18+$0x70] =	vst v2  }
0x74: {  	[tilespmem:s18+$0x470] =	vst v11  }
0x75: {  	[tilespmem:s18+$0x41C] =	vst v5  }
0x76: {  	[tilespmem:s18+$0x46] =	vst v12  }
0x77: {  	v12 =	vld [tilespmem:s1+$0x56];
	_ =	sdelay $0x1  }
0x78: {  	s25 =	simm.s32 $0x180  }
0x79: {  	s18 =	sand.u32 $0x380, s25  }
0x7a: {  	s22 =	sadd.s32 s18, s17  }
0x7b: {  	[tilespmem:s22+$0x0] =	vst v12  }
0x7c: {  	v12 =	vld [tilespmem:s1+$0x66];
	_ =	sdelay $0x4  }
0x7d: {  	[tilespmem:s22+$0x10] =	vst v12  }
0x7e: {  	s31 =	smov.u32 s21;
	v12 =	vld [tilespmem:s1+$0x76]  }
0x7f: {  	s20 =	simm.s32 $0xD04;
	s17 =	simm.s32 $0x0;
	s18 =	simm.s32 $0x200  }
.LBB2_3:
0x80: {  	s17 =	sadd.s32 $0x4, s17;
	s31 =	sadd.s32 $0x400, s31;
	p0 =	por !p0, !p0  }
0x81: {  	p1 =	slt.u32 s17, $0x1C;
	_ =	sdelay $0x1  }
0x82: {  	[tilespmem:s22+$0x20] =	vst v12  }
0x83: {  	v12 =	vld [tilespmem:s1+$0x86];
	_ =	sdelay $0x4  }
0x84: {  	[tilespmem:s22+$0x30] =	vst v12  }
0x85: {  	v12 =	vld [tilespmem:s1+$0x96];
	_ =	sdelay $0x4  }
0x86: {  	[tilespmem:s22+$0x40] =	vst v12  }
0x87: {  	v12 =	vld [tilespmem:s1+$0x9C];
	s1 =	smov.u32 s20  }
0x88: {  	[tilespmem:s22+$0x66] =	vst v1  }
0x89: {  	[tilespmem:s22+$0x410] =	vst v4  }
0x8a: {  	[tilespmem:s22+$0x46C] =	vst v10  }
0x8b: {  	[tilespmem:s22+$0x470] =	vst v11  }
0x8c: {  	[tilespmem:s22+$0x46] =	vst v12  }
0x8d: {  	[tilespmem:s22+$0x70] =	vst v2  }
0x8e: {  	[tilespmem:s22+$0x41C] =	vst v5  }
0x8f: {  	[tilespmem:s22+$0x56] =	vst v0  }
0x90: {  	[tilespmem:s22+$0x400] =	vst v3  }
0x91: {  	[tilespmem:s22+$0x42C] =	vst v6  }
0x92: {  	[tilespmem:s22+$0x43C] =	vst v7  }
0x93: {  	[tilespmem:s22+$0x44C] =	vst v9  }
0x94: {  	[tilespmem:s22+$0x45C] =	vst v8  }
0x95: {  	v12 =	vld [tilespmem:s20+$0xFFFFFF54];
	_ =	sdelay $0x1  }
0x96: {  	s22 =	sand.u32 $0x1F800, s31  }
0x97: {  	s23 =	sand.u32 $0x200, s18;
	s22 =	sadd.s32 $0x1980, s22  }
0x98: {  	s23 =	sor.u32 s23, s22  }
0x99: {  	[tilespmem:s23+$0x0] =	vst v12  }
0x9a: {  	v12 =	vld [tilespmem:s20+$0xFFFFFF64];
	_ =	sdelay $0x4  }
0x9b: {  	[tilespmem:s23+$0x10] =	vst v12  }
0x9c: {  	v12 =	vld [tilespmem:s20+$0xFFFFFF74];
	_ =	sdelay $0x4  }
0x9d: {  	[tilespmem:s23+$0x20] =	vst v12  }
0x9e: {  	v12 =	vld [tilespmem:s20+$0xFFFFFF84];
	_ =	sdelay $0x4  }
0x9f: {  	[tilespmem:s23+$0x30] =	vst v12  }
0xa0: {  	v12 =	vld [tilespmem:s20+$0xFFFFFF94];
	_ =	sdelay $0x2  }
0xa1: {  	s24 =	simm.s32 $0x1  }
0xa2: {  	s24 =	simm.s32 @!p0 $0x0  }
0xa3: {  	s24 =	sshll.u32 s24, $0x9;
	[tilespmem:s23+$0x40] =	vst v12  }
0xa4: {  	s24 =	sadd.s32 s24, s31;
	v12 =	vld [tilespmem:s20+$0xFFFFFF9A]  }
0xa5: {  	s25 =	sor.u32 $0x400, s24  }
0xa6: {  	[tilespmem:s25+$0x1980] =	vst v3  }
0xa7: {  	[tilespmem:s23+$0x56] =	vst v0  }
0xa8: {  	[tilespmem:s23+$0x66] =	vst v1  }
0xa9: {  	[tilespmem:s23+$0x46] =	vst v12  }
0xaa: {  	[tilespmem:s23+$0x70] =	vst v2;
	s23 =	sor.u32 $0x410, s24  }
0xab: {  	[tilespmem:s23+$0x1980] =	vst v4;
	s23 =	sor.u32 $0x41C, s24  }
0xac: {  	[tilespmem:s23+$0x1980] =	vst v5;
	s23 =	sor.u32 $0x42C, s24  }
0xad: {  	[tilespmem:s23+$0x1980] =	vst v6;
	s23 =	sor.u32 $0x43C, s24  }
0xae: {  	[tilespmem:s23+$0x1980] =	vst v7;
	s23 =	sor.u32 $0x44C, s24  }
0xaf: {  	[tilespmem:s23+$0x1980] =	vst v9;
	s23 =	sor.u32 $0x45C, s24  }
0xb0: {  	[tilespmem:s23+$0x1980] =	vst v8;
	s23 =	sor.u32 $0x46C, s24  }
0xb1: {  	[tilespmem:s23+$0x1980] =	vst v10;
	s23 =	sor.u32 $0x470, s24  }
0xb2: {  	[tilespmem:s23+$0x1980] =	vst v11  }
0xb3: {  	v12 =	vld [tilespmem:s20+$0xFFFFFFAA];
	_ =	sdelay $0x1  }
0xb4: {  	s23 =	sadd.s32 $0x80, s18  }
0xb5: {  	s23 =	sand.u32 $0x280, s23  }
0xb6: {  	s23 =	sadd.s32 s23, s22  }
0xb7: {  	[tilespmem:s23+$0x0] =	vst v12  }
0xb8: {  	v12 =	vld [tilespmem:s20+$0xFFFFFFBA];
	_ =	sdelay $0x4  }
0xb9: {  	[tilespmem:s23+$0x10] =	vst v12  }
0xba: {  	v12 =	vld [tilespmem:s20+$0xFFFFFFCA];
	_ =	sdelay $0x4  }
0xbb: {  	[tilespmem:s23+$0x20] =	vst v12  }
0xbc: {  	v12 =	vld [tilespmem:s20+$0xFFFFFFDA];
	_ =	sdelay $0x4  }
0xbd: {  	[tilespmem:s23+$0x30] =	vst v12  }
0xbe: {  	v12 =	vld [tilespmem:s20+$0xFFFFFFEA];
	_ =	sdelay $0x4  }
0xbf: {  	[tilespmem:s23+$0x40] =	vst v12  }
0xc0: {  	v12 =	vld [tilespmem:s20+$0xFFFFFFF0]  }
0xc1: {  	[tilespmem:s23+$0x45C] =	vst v8  }
0xc2: {  	[tilespmem:s23+$0x43C] =	vst v7  }
0xc3: {  	[tilespmem:s23+$0x44C] =	vst v9  }
0xc4: {  	[tilespmem:s23+$0x400] =	vst v3  }
0xc5: {  	[tilespmem:s23+$0x42C] =	vst v6  }
0xc6: {  	[tilespmem:s23+$0x56] =	vst v0  }
0xc7: {  	[tilespmem:s23+$0x46C] =	vst v10  }
0xc8: {  	[tilespmem:s23+$0x66] =	vst v1  }
0xc9: {  	[tilespmem:s23+$0x70] =	vst v2  }
0xca: {  	[tilespmem:s23+$0x410] =	vst v4  }
0xcb: {  	[tilespmem:s23+$0x470] =	vst v11  }
0xcc: {  	[tilespmem:s23+$0x46] =	vst v12  }
0xcd: {  	[tilespmem:s23+$0x41C] =	vst v5  }
0xce: {  	v12 =	vld [tilespmem:s20+$0x0];
	_ =	sdelay $0x1  }
0xcf: {  	s23 =	sadd.s32 $0x100, s18  }
0xd0: {  	s23 =	sand.u32 $0x300, s23  }
0xd1: {  	s23 =	sadd.s32 s23, s22  }
0xd2: {  	[tilespmem:s23+$0x0] =	vst v12  }
0xd3: {  	v12 =	vld [tilespmem:s20+$0x10];
	_ =	sdelay $0x4  }
0xd4: {  	[tilespmem:s23+$0x10] =	vst v12  }
0xd5: {  	v12 =	vld [tilespmem:s20+$0x20];
	_ =	sdelay $0x4  }
0xd6: {  	[tilespmem:s23+$0x20] =	vst v12  }
0xd7: {  	v12 =	vld [tilespmem:s20+$0x30];
	_ =	sdelay $0x4  }
0xd8: {  	[tilespmem:s23+$0x30] =	vst v12  }
0xd9: {  	v12 =	vld [tilespmem:s20+$0x40];
	_ =	sdelay $0x4  }
0xda: {  	[tilespmem:s23+$0x40] =	vst v12  }
0xdb: {  	v12 =	vld [tilespmem:s20+$0x46]  }
0xdc: {  	[tilespmem:s23+$0x43C] =	vst v7  }
0xdd: {  	[tilespmem:s23+$0x44C] =	vst v9  }
0xde: {  	[tilespmem:s23+$0x42C] =	vst v6  }
0xdf: {  	[tilespmem:s23+$0x45C] =	vst v8  }
0xe0: {  	[tilespmem:s23+$0x400] =	vst v3  }
0xe1: {  	[tilespmem:s23+$0x46C] =	vst v10  }
0xe2: {  	[tilespmem:s23+$0x46] =	vst v12  }
0xe3: {  	[tilespmem:s23+$0x66] =	vst v1  }
0xe4: {  	[tilespmem:s23+$0x56] =	vst v0  }
0xe5: {  	[tilespmem:s23+$0x70] =	vst v2  }
0xe6: {  	[tilespmem:s23+$0x470] =	vst v11  }
0xe7: {  	[tilespmem:s23+$0x410] =	vst v4  }
0xe8: {  	[tilespmem:s23+$0x41C] =	vst v5  }
0xe9: {  	v12 =	vld [tilespmem:s20+$0x56];
	_ =	sdelay $0x1  }
0xea: {  	s23 =	sadd.s32 $0x180, s18  }
0xeb: {  	s23 =	sand.u32 $0x380, s23  }
0xec: {  	s22 =	sadd.s32 s23, s22  }
0xed: {  	[tilespmem:s22+$0x0] =	vst v12  }
0xee: {  	v12 =	vld [tilespmem:s20+$0x66];
	_ =	sdelay $0x2  }
.Ltmp0:
0xef: {  	(pc) =	sbr.rel @p1 .LBB2_3-.Ltmp0, $4  }
0xf0: {  	_ = 	snop  }
0xf1: {  	[tilespmem:s22+$0x10] =	vst v12  }
0xf2: {  	v12 =	vld [tilespmem:s20+$0x76]  }
0xf3: {  	s18 =	sadd.s32 $0x200, s18;
	s20 =	sadd.s32 $0x158, s20  }
0xf4: {  	_ =	sdelay $0x2  }
0xf5: {  	[tilespmem:s22+$0x20] =	vst v12  }
0xf6: {  	v12 =	vld [tilespmem:s1+$0x86];
	_ =	sdelay $0x4  }
0xf7: {  	[tilespmem:s22+$0x30] =	vst v12  }
0xf8: {  	v12 =	vld [tilespmem:s1+$0x96];
	_ =	sdelay $0x4  }
0xf9: {  	[tilespmem:s22+$0x40] =	vst v12  }
0xfa: {  	v12 =	vld [tilespmem:s1+$0x9C];
	[tilespmem:s22+$0x66] =	vst v1  }
0xfb: {  	[tilespmem:s22+$0x410] =	vst v4  }
0xfc: {  	[tilespmem:s22+$0x46C] =	vst v10  }
0xfd: {  	[tilespmem:s22+$0x56] =	vst v0  }
0xfe: {  	[tilespmem:s22+$0x400] =	vst v3  }
0xff: {  	[tilespmem:s22+$0x42C] =	vst v6  }
0x100: {  	s0 =	sadd.s32 $0x1, s0;
	[tilespmem:s22+$0x43C] =	vst v7  }
0x101: {  	p0 =	sne.s32 s0, $0x9;
	[tilespmem:s22+$0x44C] =	vst v9  }
.Ltmp1:
0x102: {  	[tilespmem:s22+$0x45C] =	vst v8;
	(pc) =	sbr.rel @p0 .LBB2_2-.Ltmp1, $4  }
0x103: {  	[tilespmem:s22+$0x470] =	vst v11  }
0x104: {  	[tilespmem:s22+$0x70] =	vst v2  }
0x105: {  	[tilespmem:s22+$0x41C] =	vst v5  }
0x106: {  	s21 =	sadd.s32 $0x2000, s21;
	[tilespmem:s22+$0x46] =	vst v12  }
0x107: {  	s0 =	simm.s32 $0x1980  }
0x108: {  	[hbm4b:s7+s2] =	stream.linear.scatter [tilespmem:s0], [sflag:$0x1], $0x2000, $0x38;
	[tilespmem:$0x13980] =	vst v63  }
0x109: {  	s22 =	simm.s32 $0x3980  }
0x10a: {  	[hbm4b:s9+s2] =	stream.linear.scatter [tilespmem:s22], [sflag:$0x1], $0x2000, $0x38;
	[tilespmem:$0x13980] =	vst v63  }
0x10b: {  	s23 =	simm.s32 $0x5980  }
0x10c: {  	[hbm4b:s10+s2] =	stream.linear.scatter [tilespmem:s23], [sflag:$0x1], $0x2000, $0x38;
	[tilespmem:$0x13980] =	vst v63  }
0x10d: {  	s24 =	simm.s32 $0x7980  }
0x10e: {  	[hbm4b:s11+s2] =	stream.linear.scatter [tilespmem:s24], [sflag:$0x1], $0x2000, $0x38;
	[tilespmem:$0x13980] =	vst v63  }
0x10f: {  	s25 =	simm.s32 $0x9980  }
0x110: {  	[hbm4b:s12+s2] =	stream.linear.scatter [tilespmem:s25], [sflag:$0x1], $0x2000, $0x38;
	[tilespmem:$0x13980] =	vst v63  }
0x111: {  	s31 =	simm.s32 $0xB980  }
0x112: {  	[hbm4b:s13+s2] =	stream.linear.scatter [tilespmem:s31], [sflag:$0x1], $0x2000, $0x38;
	[tilespmem:$0x13980] =	vst v63  }
0x113: {  	_ = 	snop  }
0x114: {  	[hbm4b:s14+s2] =	stream.linear.scatter [tilespmem:s26], [sflag:$0x1], $0x2000, $0x38;
	[tilespmem:$0x13980] =	vst v63  }
0x115: {  	_ = 	snop  }
0x116: {  	[hbm4b:s15+s2] =	stream.linear.scatter [tilespmem:s28], [sflag:$0x1], $0x2000, $0x38;
	[tilespmem:$0x13980] =	vst v63  }
0x117: {  	_ = 	snop  }
0x118: {  	[hbm4b:s16+s2] =	stream.linear.scatter [tilespmem:s29], [sflag:$0x1], $0x2000, $0x38;
	[tilespmem:$0x13980] =	vst v63  }
0x119: {  	_ =	swait.ge [sflag:s19], $0x2000  }
0x11a: {  	[sflag:s19] =	ssyncset.done $0x0  }
0x11b: {  	[sflag:s19] =	ssyncadd.s32 $0xFFFFE000  }
0x11c: {  	_ =	swait.ge [sflag:s19], $0x2000  }
0x11d: {  	[sflag:s19] =	ssyncset.done $0x0  }
0x11e: {  	[sflag:s19] =	ssyncadd.s32 $0xFFFFE000  }
0x11f: {  	_ =	swait.ge [sflag:s19], $0x2000  }
0x120: {  	[sflag:s19] =	ssyncset.done $0x0  }
0x121: {  	[sflag:s19] =	ssyncadd.s32 $0xFFFFE000  }
0x122: {  	_ =	swait.ge [sflag:s19], $0x2000  }
0x123: {  	[sflag:s19] =	ssyncset.done $0x0  }
0x124: {  	[sflag:s19] =	ssyncadd.s32 $0xFFFFE000  }
0x125: {  	_ =	swait.ge [sflag:s19], $0x2000  }
0x126: {  	[sflag:s19] =	ssyncset.done $0x0  }
0x127: {  	[sflag:s19] =	ssyncadd.s32 $0xFFFFE000  }
0x128: {  	_ =	swait.ge [sflag:s19], $0x2000  }
0x129: {  	[sflag:s19] =	ssyncset.done $0x0  }
0x12a: {  	[sflag:s19] =	ssyncadd.s32 $0xFFFFE000  }
0x12b: {  	_ =	swait.ge [sflag:s19], $0x2000  }
0x12c: {  	[sflag:s19] =	ssyncset.done $0x0  }
0x12d: {  	s30 =	sadd.s32 $0x1, s30;
	[sflag:s19] =	ssyncadd.s32 $0xFFFFE000  }
0x12e: {  	p0 =	sne.s32 s30, s8;
	_ =	swait.ge [sflag:s19], $0x2000  }
.Ltmp2:
0x12f: {  	[sflag:s19] =	ssyncset.done $0x0;
	(pc) =	sbr.rel @p0 .LBB2_1-.Ltmp2, $4  }
0x130: {  	[sflag:s19] =	ssyncadd.s32 $0xFFFFE000  }
0x131: {  	_ =	swait.ge [sflag:s19], $0x2000  }
0x132: {  	[sflag:s19] =	ssyncset.done $0x0  }
0x133: {  	[sflag:s19] =	ssyncadd.s32 $0xFFFFE000  }
0x134: {  	_ =	sfence.sel $0x180000  }
0x135: {  	[bflag:$0x0] =	sbarrier.arrive $0xFFFF  }
0x136: {  	_ =	strace $0x90000047  }
0x137: {  	s0 =	stileid.u32;
	[bflag:$0x2] =	sbarrier.arrive $0xFFFF  }
0x138: {  	p0 =	sne.s32 s0, $0x0;
	s0 =	rddreg [dreg:$0x2]  }
0x139: {  	s0 =	sadd.s32 @!p0 $0x100000, s0  }
0x13a: {  	[sflag:s0] =	ssyncadd.tile.s32 @!p0 $0x1;
	_ =	shalt  }
.Lfunc_end2:
_tile_overlayer_lowered:
.L_overlay_start_2:
0x13b: {  	(tag) =	ssettag $0x2  }
0x13c: {  	s0 =	rddreg [dreg:$0x0];
	s2 =	stileid.u32  }
0x13d: {  	s1 =	rddreg [dreg:$0x1];
	p0 =	sne.s32 s2, $0x0  }
0x13e: {  	s3 =	rddreg [dreg:$0x2];
	[bflag:$0x3] =	sbarrier.arrive $0xFFFF;
	s2 =	simm.s32 @!p0 $0x1C02  }
0x13f: {  	[timem:s3], [sflag:s2] =	dma.local @!p0 [hbm:s0], s1  }
0x140: {  	s0 =	simm.s32 @!p0 $0x2  }
0x141: {  	_ =	swait.ge @!p0 [sflag:s0], s1  }
0x142: {  	s1 =	ssub.s32 @!p0 $0x0, s1;
	[sflag:s0] =	ssyncset.done @!p0 $0x0  }
0x143: {  	[sflag:s0] =	ssyncadd.s32 @!p0 s1  }
0x144: {  	[bflag:$0x3] =	sbarrier.arrive $0xFFFF  }
0x145: {  	_ =	shalt  }

</sc_bundles>
